<compile_context>
chip_gen: v7x
topology: tpu7x:2x2x1
jax: 0.10.2.dev20260603
libtpu: 0.0.44.dev20260713+nightly
codegen_flags: <defaults>
</compile_context>

<pallas_src>
import functools

import jax
import jax.numpy as jnp
from jax import lax
from jax.experimental import pallas as pl
from jax.experimental.pallas import tpu as pltpu
from jax.experimental.pallas import tpu_sc as plsc

_G = 16
_V = _G * _G * _G
_NC, _NS = 2, 16
_DG = 4
_CP = 4096


def _idx_body(x_ref, o_ref):
    x = x_ref[0]
    vi = jnp.clip((x * _G).astype(jnp.int32), 0, _G - 1)
    flat = vi[2] * (_G * _G) + vi[1] * _G + vi[0]
    j = lax.broadcasted_iota(jnp.int32, flat.shape, 0)
    ido = flat + (j & 15) * _V
    h = flat.shape[0] // 2
    o_ref[...] = ido[:h] | (ido[h:] << 16)


def _lin_body(f_ref, o_ref):
    r, n = f_ref.shape
    h = n // 2
    a = lax.bitcast_convert_type(
        f_ref[:, :h].astype(jnp.bfloat16), jnp.uint16).astype(jnp.int32)
    b = lax.bitcast_convert_type(
        f_ref[:, h:].astype(jnp.bfloat16), jnp.uint16).astype(jnp.int32)
    o_ref[...] = (a | (b << 16)).reshape(r * h)


def _div_body(s_ref, c_ref, o_ref):
    D = o_ref.shape[1]
    s = s_ref[...].reshape(D, _V)
    c = jnp.maximum(c_ref[...], 1.0)
    o_ref[0] = s / c[None, :]


def _build_sc(B, D, N):
    mesh = plsc.VectorSubcoreMesh(core_axis_name="c", subcore_axis_name="s")
    half = N // 2
    nchunks = half // _CP

    @functools.partial(
        pl.kernel,
        out_type=(
            jax.ShapeDtypeStruct((B * D * _V,), jnp.float32),
            jax.ShapeDtypeStruct((B * _V,), jnp.float32),
        ),
        mesh=mesh,
        scratch_types=[
            pltpu.VMEM((half,), jnp.int32),
            pltpu.VMEM((2, _CP), jnp.int32),
            pltpu.VMEM((16 * _V,), jnp.float32),
            pltpu.VMEM((_V,), jnp.float32),
            pltpu.VMEM((2, _V), jnp.float32),
            pltpu.SemaphoreType.DMA,
            pltpu.SemaphoreType.DMA,
        ],
        compiler_params=pltpu.CompilerParams(use_tc_tiling_on_sc=False,
                                             needs_layout_passes=False),
    )
    def sc(feat_hbm, idx_hbm, sums_hbm, cnts_hbm, idx_v, feat_v, bins,
           prev, outv, fsem, osem):
        cc = lax.axis_index("c")
        ss = lax.axis_index("s")
        wid = ss * _NC + cc
        b = wid // _DG
        dg = wid % _DG

        zvec = jnp.zeros((16,), jnp.float32)
        ones = jnp.full((16,), 1.0, jnp.float32)

        pltpu.sync_copy(idx_hbm.at[pl.ds(b * half, half)], idx_v)

        def zb(i, _):
            bins[pl.ds(i * 16, 16)] = zvec
            return 0

        lax.fori_loop(0, 16 * (_V // 16), zb, 0, unroll=8)

        def zp(i, _):
            prev[pl.ds(i * 16, 16)] = zvec
            return 0

        lax.fori_loop(0, _V // 16, zp, 0, unroll=8)

        def start_feat(fi):
            r = fi // nchunks
            ci = fi % nchunks
            d = dg * 16 + r
            rowbase = (b * D + d) * half
            buf = fi % 2
            pltpu.async_copy(
                feat_hbm.at[pl.ds(rowbase + ci * _CP, _CP)],
                feat_v.at[buf], fsem)

        def wait_feat(fi):
            buf = fi % 2
            pltpu.make_async_copy(
                feat_hbm.at[pl.ds(0, _CP)], feat_v.at[buf], fsem).wait()

        def reduce_row(dst_ref, base, obuf, r):
            @pl.when(r >= 2)
            def _():
                pltpu.make_async_copy(
                    sums_hbm.at[pl.ds(0, _V)], outv.at[0], osem).wait()

            def red(i, _):
                vs = [bins[pl.ds(l * _V + i * 16, 16)] for l in range(16)]
                while len(vs) > 1:
                    vs = [vs[k] + vs[k + 1] for k in range(0, len(vs), 2)]
                acc = vs[0]
                outv[obuf, pl.ds(i * 16, 16)] = acc - prev[pl.ds(i * 16, 16)]
                prev[pl.ds(i * 16, 16)] = acc
                return 0

            lax.fori_loop(0, _V // 16, red, 0, unroll=2)
            pltpu.async_copy(outv.at[obuf], dst_ref.at[pl.ds(base, _V)], osem)

        def scat(w, ve, vo):
            lo = w & 0xFFFF
            hi = lax.shift_right_logical(w, 16)
            plsc.addupdate_scatter(bins, [lo], ve)
            plsc.addupdate_scatter(bins, [hi], vo)

        start_feat(0)

        def chunk_step(fi, _):
            @pl.when(fi + 1 < 16 * nchunks)
            def _():
                start_feat(fi + 1)

            wait_feat(fi)
            buf = fi % 2
            ibase = (fi % nchunks) * _CP

            def loads(i):
                w = idx_v[pl.ds(ibase + i * 16, 16)]
                fp = feat_v[buf, pl.ds(i * 16, 16)]
                fe = plsc.bitcast(lax.shift_left(fp, 16), jnp.float32)
                fo = plsc.bitcast(fp & jnp.int32(-65536), jnp.float32)
                return w, fe, fo

            def ib(i, st):
                w, fe, fo = st
                nxt = loads(i + 1)
                scat(w, fe, fo)
                return nxt

            last = lax.fori_loop(0, _CP // 16 - 1, ib, loads(0), unroll=4)
            scat(*last)

            @pl.when(fi % nchunks == nchunks - 1)
            def _():
                r = fi // nchunks
                d = dg * 16 + r
                reduce_row(sums_hbm, (b * D + d) * _V, r % 2, r)

            return 0

        lax.fori_loop(0, 16 * nchunks, chunk_step, 0)

        pltpu.make_async_copy(sums_hbm.at[pl.ds(0, _V)], outv.at[0],
                              osem).wait()
        pltpu.make_async_copy(sums_hbm.at[pl.ds(0, _V)], outv.at[0],
                              osem).wait()

        @pl.when(dg == 0)
        def _counts():
            def ib(i, w):
                nxt = idx_v[pl.ds((i + 1) * 16, 16)]
                scat(w, ones, ones)
                return nxt

            last = lax.fori_loop(0, half // 16 - 1, ib,
                                 idx_v[pl.ds(0, 16)], unroll=4)
            scat(last, ones, ones)

            def red(i, _):
                vs = [bins[pl.ds(l * _V + i * 16, 16)] for l in range(16)]
                while len(vs) > 1:
                    vs = [vs[k] + vs[k + 1] for k in range(0, len(vs), 2)]
                outv[0, pl.ds(i * 16, 16)] = vs[0] - prev[pl.ds(i * 16, 16)]
                return 0

            lax.fori_loop(0, _V // 16, red, 0, unroll=2)
            pltpu.sync_copy(outv.at[0], cnts_hbm.at[pl.ds(b * _V, _V)])

    return sc


def kernel(features, xyz_normalized):
    B, D, N = features.shape
    xyz_t = jnp.transpose(xyz_normalized, (0, 2, 1))
    idx = pl.pallas_call(
        _idx_body,
        grid=(B,),
        in_specs=[pl.BlockSpec((1, 3, N), lambda b: (b, 0, 0))],
        out_specs=pl.BlockSpec((N // 2,), lambda b: (b,)),
        out_shape=jax.ShapeDtypeStruct((B * (N // 2),), jnp.int32),
    )(xyz_t)
    feat_lin = pl.pallas_call(
        _lin_body,
        grid=(B * D // 8,),
        in_specs=[pl.BlockSpec((8, N), lambda g: (g, 0))],
        out_specs=pl.BlockSpec((8 * (N // 2),), lambda g: (g,)),
        out_shape=jax.ShapeDtypeStruct((B * D * (N // 2),), jnp.int32),
    )(features.reshape(B * D, N))
    sums, cnts = _build_sc(B, D, N)(feat_lin, idx)
    out = pl.pallas_call(
        _div_body,
        grid=(B,),
        in_specs=[
            pl.BlockSpec((D * _V,), lambda b: (b,)),
            pl.BlockSpec((_V,), lambda b: (b,)),
        ],
        out_specs=pl.BlockSpec((1, D, _V), lambda b: (b, 0, 0)),
        out_shape=jax.ShapeDtypeStruct((B, D, _V), jnp.float32),
    )(sums, cnts)
    return out

# --- scband reference (transcript-rebuilt; emitter-appended) ---
"""Pipeline reference for scband-voxel-aggregation-36112085025262 (READ-ONLY COPY).

The authoritative reference and input builder live on the scoring server;
editing this copy changes nothing except your own understanding.
"""

import jax, jax.numpy as jnp
import numpy as np

GRID = 16


def setup_inputs(seed: int = 0) -> dict:
    key = jax.random.key(seed)
    k1, k2 = jax.random.split(key)
    features = jax.random.normal(k1, (8, 64, 65536), dtype=jnp.float32)
    xyz_normalized = jax.random.uniform(k2, (8, 65536, 3), dtype=jnp.float32)
    return {"features": features, "xyz_normalized": xyz_normalized}


def reference(features, xyz_normalized):
    G = GRID
    V = G ** 3
    B, D, N = features.shape
    voxel_indices = jnp.clip((xyz_normalized * G).astype(jnp.int32), 0, G - 1)
    flat = voxel_indices[..., 2] * (G * G) + voxel_indices[..., 1] * G + voxel_indices[..., 0]  # [B, N]
    offsets = (jnp.arange(B, dtype=jnp.int32) * V)[:, None]
    idx = (flat + offsets).reshape(-1)  # [B*N]
    feats = jnp.transpose(features, (0, 2, 1)).reshape(B * N, D)  # [B*N, D]
    voxel_sums = jax.ops.segment_sum(feats, idx, num_segments=B * V)  # [B*V, D]
    counts = jax.ops.segment_sum(jnp.ones((B * N,), dtype=features.dtype), idx, num_segments=B * V)
    counts = jnp.clip(counts, 1.0, None)
    voxel_avg = voxel_sums / counts[:, None]
    out = jnp.transpose(voxel_avg.reshape(B, V, D), (0, 2, 1))  # [B, D, V]
    return out

if __name__ == "__main__":
    import jax
    _d = setup_inputs()
    print(jax.jit(kernel)(*tuple(_d.values())))

</pallas_src>

<mosaic_0001>
#map = affine_map<(d0, d1) -> (0)>
module attributes {stable_mosaic.version = 14 : i64} {
  func.func @sc(%arg0: i32, %arg1: i32, %arg2: memref<16777216xi32, #tpu.memory_space<hbm>>, %arg3: memref<262144xi32, #tpu.memory_space<hbm>>, %arg4: memref<2097152xf32, #tpu.memory_space<hbm>>, %arg5: memref<32768xf32, #tpu.memory_space<hbm>>, %arg6: memref<32768xi32, #tpu.memory_space<vmem>>, %arg7: memref<2x4096xi32, #tpu.memory_space<vmem>>, %arg8: memref<65536xf32, #tpu.memory_space<vmem>>, %arg9: memref<4096xf32, #tpu.memory_space<vmem>>, %arg10: memref<2x4096xf32, #tpu.memory_space<vmem>>, %arg11: memref<!tpu.dma_semaphore, #tpu.memory_space<semaphore_mem>>, %arg12: memref<!tpu.dma_semaphore, #tpu.memory_space<semaphore_mem>>) attributes {dimension_semantics = [#tpu.dimension_semantics<core_parallel>, #tpu.dimension_semantics<subcore_parallel>], iteration_bounds = array<i64: 2, 16>, scalar_prefetch = 0 : i64, scratch_operands = 7 : i64, tpu.core_type = #tpu.core_type<sc_vector_subcore>, window_params = [{transform_indices = #map}, {transform_indices = #map}, {transform_indices = #map}, {transform_indices = #map}]} {
    %mul3A = arith.constant 2 : i32
    %mul3A_0 = arith.muli %arg1, %mul3A : i32
    %add3A = arith.addi %mul3A_0, %arg0 : i32
    %jit3A = arith.constant 4 : i32
    %div3A = arith.divsi %add3A, %jit3A : i32
    %sign3A = arith.constant 0 : i32
    %sign3A_1 = arith.cmpi sgt, %add3A, %sign3A : i32
    %sign3A_2 = arith.extui %sign3A_1 : i1 to i32
    %sign3A_3 = arith.constant 0 : i32
    %sign3A_4 = arith.cmpi slt, %add3A, %sign3A_3 : i32
    %sign3A_5 = arith.extui %sign3A_4 : i1 to i32
    %sign3A_6 = arith.subi %sign3A_2, %sign3A_5 : i32
    %sign3A_7 = arith.constant 0 : i32
    %sign3A_8 = arith.cmpi sgt, %jit3A, %sign3A_7 : i32
    %sign3A_9 = arith.extui %sign3A_8 : i1 to i32
    %sign3A_10 = arith.constant 0 : i32
    %sign3A_11 = arith.cmpi slt, %jit3A, %sign3A_10 : i32
    %sign3A_12 = arith.extui %sign3A_11 : i1 to i32
    %sign3A_13 = arith.subi %sign3A_9, %sign3A_12 : i32
    %ne3A = arith.cmpi ne, %sign3A_6, %sign3A_13 : i32
    %rem3A = arith.remsi %add3A, %jit3A : i32
    %ne3A_14 = arith.constant 0 : i32
    %ne3A_15 = arith.cmpi ne, %rem3A, %ne3A_14 : i32
    %and3A = arith.andi %ne3A, %ne3A_15 : i1
    %sub3A = arith.constant 1 : i32
    %sub3A_16 = arith.subi %div3A, %sub3A : i32
    %select_n3A = arith.select %and3A, %sub3A_16, %div3A : i32
    %jit3A_17 = arith.constant 4 : i32
    %eq3A = arith.constant 0 : i32
    %eq3A_18 = arith.cmpi eq, %jit3A_17, %eq3A : i32
    %jit3A_19 = arith.constant 1 : i32
    %select_n3A_20 = arith.select %eq3A_18, %jit3A_19, %jit3A_17 : i32
    %rem3A_21 = arith.remsi %add3A, %select_n3A_20 : i32
    %ne3A_22 = arith.constant 0 : i32
    %ne3A_23 = arith.cmpi ne, %rem3A_21, %ne3A_22 : i32
    %lt3A = arith.constant 0 : i32
    %lt3A_24 = arith.cmpi slt, %rem3A_21, %lt3A : i32
    %lt3A_25 = arith.constant 0 : i32
    %lt3A_26 = arith.cmpi slt, %select_n3A_20, %lt3A_25 : i32
    %ne3A_27 = arith.xori %lt3A_24, %lt3A_26 : i1
    %and3A_28 = arith.andi %ne3A_27, %ne3A_23 : i1
    %add3A_29 = arith.addi %rem3A_21, %select_n3A_20 : i32
    %select_n3A_30 = arith.select %and3A_28, %add3A_29, %rem3A_21 : i32
    %broadcast_in_dim3A = arith.constant 0.000000e+00 : f32
    %broadcast_in_dim3A_31 = vector.broadcast %broadcast_in_dim3A : f32 to vector<16xf32>
    %broadcast_in_dim3A_32 = arith.constant 1.000000e+00 : f32
    %broadcast_in_dim3A_33 = vector.broadcast %broadcast_in_dim3A_32 : f32 to vector<16xf32>
    %mul3A_34 = arith.constant 32768 : i32
    %mul3A_35 = arith.muli %select_n3A, %mul3A_34 : i32
    "tpu.region"() ({
      %run_scoped3A = tpu.sem_alloc : memref<!tpu.dma_semaphore, #tpu.memory_space<semaphore_mem>>
      %dma_start3A_99 = tpu.memref_slice %arg3[%mul3A_35] : memref<262144xi32, #tpu.memory_space<hbm>> -> memref<32768xi32, #tpu.memory_space<hbm>>
      %dma_start3A_100 = tpu.memref_slice %arg3[%mul3A_35] : memref<262144xi32, #tpu.memory_space<hbm>> -> memref<32768xi32, #tpu.memory_space<hbm>>
      tpu.enqueue_dma source(%dma_start3A_100 : memref<32768xi32, #tpu.memory_space<hbm>>) target(%arg6 : memref<32768xi32, #tpu.memory_space<vmem>>) target_semaphore(%run_scoped3A : memref<!tpu.dma_semaphore, #tpu.memory_space<semaphore_mem>>)
      %dma_wait3A_101 = tpu.memref_slice %arg3[%mul3A_35] : memref<262144xi32, #tpu.memory_space<hbm>> -> memref<32768xi32, #tpu.memory_space<hbm>>
      %dma_wait3A_102 = tpu.memref_slice %arg3[%mul3A_35] : memref<262144xi32, #tpu.memory_space<hbm>> -> memref<32768xi32, #tpu.memory_space<hbm>>
      tpu.wait_dma2 semaphore(%run_scoped3A : memref<!tpu.dma_semaphore, #tpu.memory_space<semaphore_mem>>) src(%dma_wait3A_102 : memref<32768xi32, #tpu.memory_space<hbm>>) dst(%arg6 : memref<32768xi32, #tpu.memory_space<vmem>>)
      tpu.yield
    }) : () -> ()
    %scan3A = arith.constant 0 : i32
    %scan3A_36 = arith.constant 0 : i32
    %scan3A_37 = arith.constant 4096 : i32
    %scan3A_38 = arith.addi %scan3A_36, %scan3A_37 : i32
    %scan3A_39 = arith.constant 8 : i32
    %scan3A_40 = scf.for %scan3A_99 = %scan3A_36 to %scan3A_38 step %scan3A_39 iter_args(%scan3A_100 = %scan3A) -> (i32)  : i32 {
      %mul3A_101 = arith.constant 16 : i32
      %mul3A_102 = arith.muli %scan3A_99, %mul3A_101 : i32
      %swap3A = arith.index_cast %mul3A_102 : i32 to index
      %swap3A_103 = tpu.vector_load %arg8[%swap3A] {strides = array<i32>} : memref<65536xf32, #tpu.memory_space<vmem>>, vector<16xf32>,
      tpu.vector_store %arg8[%swap3A], %broadcast_in_dim3A_31 {strides = array<i32>} : memref<65536xf32, #tpu.memory_space<vmem>>, vector<16xf32>,
      %scan3A_104 = arith.constant 0 : i32
      %scan3A_105 = arith.constant 1 : i32
      %scan3A_106 = arith.addi %scan3A_99, %scan3A_105 : i32
      %mul3A_107 = arith.constant 16 : i32
      %mul3A_108 = arith.muli %scan3A_106, %mul3A_107 : i32
      %swap3A_109 = arith.index_cast %mul3A_108 : i32 to index
      %swap3A_110 = tpu.vector_load %arg8[%swap3A_109] {strides = array<i32>} : memref<65536xf32, #tpu.memory_space<vmem>>, vector<16xf32>,
      tpu.vector_store %arg8[%swap3A_109], %broadcast_in_dim3A_31 {strides = array<i32>} : memref<65536xf32, #tpu.memory_space<vmem>>, vector<16xf32>,
      %scan3A_111 = arith.constant 0 : i32
      %scan3A_112 = arith.constant 2 : i32
      %scan3A_113 = arith.addi %scan3A_99, %scan3A_112 : i32
      %mul3A_114 = arith.constant 16 : i32
      %mul3A_115 = arith.muli %scan3A_113, %mul3A_114 : i32
      %swap3A_116 = arith.index_cast %mul3A_115 : i32 to index
      %swap3A_117 = tpu.vector_load %arg8[%swap3A_116] {strides = array<i32>} : memref<65536xf32, #tpu.memory_space<vmem>>, vector<16xf32>,
      tpu.vector_store %arg8[%swap3A_116], %broadcast_in_dim3A_31 {strides = array<i32>} : memref<65536xf32, #tpu.memory_space<vmem>>, vector<16xf32>,
      %scan3A_118 = arith.constant 0 : i32
      %scan3A_119 = arith.constant 3 : i32
      %scan3A_120 = arith.addi %scan3A_99, %scan3A_119 : i32
      %mul3A_121 = arith.constant 16 : i32
      %mul3A_122 = arith.muli %scan3A_120, %mul3A_121 : i32
      %swap3A_123 = arith.index_cast %mul3A_122 : i32 to index
      %swap3A_124 = tpu.vector_load %arg8[%swap3A_123] {strides = array<i32>} : memref<65536xf32, #tpu.memory_space<vmem>>, vector<16xf32>,
      tpu.vector_store %arg8[%swap3A_123], %broadcast_in_dim3A_31 {strides = array<i32>} : memref<65536xf32, #tpu.memory_space<vmem>>, vector<16xf32>,
      %scan3A_125 = arith.constant 0 : i32
      %scan3A_126 = arith.constant 4 : i32
      %scan3A_127 = arith.addi %scan3A_99, %scan3A_126 : i32
      %mul3A_128 = arith.constant 16 : i32
      %mul3A_129 = arith.muli %scan3A_127, %mul3A_128 : i32
      %swap3A_130 = arith.index_cast %mul3A_129 : i32 to index
      %swap3A_131 = tpu.vector_load %arg8[%swap3A_130] {strides = array<i32>} : memref<65536xf32, #tpu.memory_space<vmem>>, vector<16xf32>,
      tpu.vector_store %arg8[%swap3A_130], %broadcast_in_dim3A_31 {strides = array<i32>} : memref<65536xf32, #tpu.memory_space<vmem>>, vector<16xf32>,
      %scan3A_132 = arith.constant 0 : i32
      %scan3A_133 = arith.constant 5 : i32
      %scan3A_134 = arith.addi %scan3A_99, %scan3A_133 : i32
      %mul3A_135 = arith.constant 16 : i32
      %mul3A_136 = arith.muli %scan3A_134, %mul3A_135 : i32
      %swap3A_137 = arith.index_cast %mul3A_136 : i32 to index
      %swap3A_138 = tpu.vector_load %arg8[%swap3A_137] {strides = array<i32>} : memref<65536xf32, #tpu.memory_space<vmem>>, vector<16xf32>,
      tpu.vector_store %arg8[%swap3A_137], %broadcast_in_dim3A_31 {strides = array<i32>} : memref<65536xf32, #tpu.memory_space<vmem>>, vector<16xf32>,
      %scan3A_139 = arith.constant 0 : i32
      %scan3A_140 = arith.constant 6 : i32
      %scan3A_141 = arith.addi %scan3A_99, %scan3A_140 : i32
      %mul3A_142 = arith.constant 16 : i32
      %mul3A_143 = arith.muli %scan3A_141, %mul3A_142 : i32
      %swap3A_144 = arith.index_cast %mul3A_143 : i32 to index
      %swap3A_145 = tpu.vector_load %arg8[%swap3A_144] {strides = array<i32>} : memref<65536xf32, #tpu.memory_space<vmem>>, vector<16xf32>,
      tpu.vector_store %arg8[%swap3A_144], %broadcast_in_dim3A_31 {strides = array<i32>} : memref<65536xf32, #tpu.memory_space<vmem>>, vector<16xf32>,
      %scan3A_146 = arith.constant 0 : i32
      %scan3A_147 = arith.constant 7 : i32
      %scan3A_148 = arith.addi %scan3A_99, %scan3A_147 : i32
      %mul3A_149 = arith.constant 16 : i32
      %mul3A_150 = arith.muli %scan3A_148, %mul3A_149 : i32
      %swap3A_151 = arith.index_cast %mul3A_150 : i32 to index
      %swap3A_152 = tpu.vector_load %arg8[%swap3A_151] {strides = array<i32>} : memref<65536xf32, #tpu.memory_space<vmem>>, vector<16xf32>,
      tpu.vector_store %arg8[%swap3A_151], %broadcast_in_dim3A_31 {strides = array<i32>} : memref<65536xf32, #tpu.memory_space<vmem>>, vector<16xf32>,
      %scan3A_153 = arith.constant 0 : i32
      scf.yield %scan3A_153 : i32
    }
    %scan3A_41 = arith.constant 4096 : i32
    %scan3A_42 = arith.constant 0 : i32
    %scan3A_43 = arith.constant 0 : i32
    %scan3A_44 = arith.constant 256 : i32
    %scan3A_45 = arith.addi %scan3A_43, %scan3A_44 : i32
    %scan3A_46 = arith.constant 8 : i32
    %scan3A_47 = scf.for %scan3A_99 = %scan3A_43 to %scan3A_45 step %scan3A_46 iter_args(%scan3A_100 = %scan3A_42) -> (i32)  : i32 {
      %mul3A_101 = arith.constant 16 : i32
      %mul3A_102 = arith.muli %scan3A_99, %mul3A_101 : i32
      %swap3A = arith.index_cast %mul3A_102 : i32 to index
      %swap3A_103 = tpu.vector_load %arg9[%swap3A] {strides = array<i32>} : memref<4096xf32, #tpu.memory_space<vmem>>, vector<16xf32>,
      tpu.vector_store %arg9[%swap3A], %broadcast_in_dim3A_31 {strides = array<i32>} : memref<4096xf32, #tpu.memory_space<vmem>>, vector<16xf32>,
      %scan3A_104 = arith.constant 0 : i32
      %scan3A_105 = arith.constant 1 : i32
      %scan3A_106 = arith.addi %scan3A_99, %scan3A_105 : i32
      %mul3A_107 = arith.constant 16 : i32
      %mul3A_108 = arith.muli %scan3A_106, %mul3A_107 : i32
      %swap3A_109 = arith.index_cast %mul3A_108 : i32 to index
      %swap3A_110 = tpu.vector_load %arg9[%swap3A_109] {strides = array<i32>} : memref<4096xf32, #tpu.memory_space<vmem>>, vector<16xf32>,
      tpu.vector_store %arg9[%swap3A_109], %broadcast_in_dim3A_31 {strides = array<i32>} : memref<4096xf32, #tpu.memory_space<vmem>>, vector<16xf32>,
      %scan3A_111 = arith.constant 0 : i32
      %scan3A_112 = arith.constant 2 : i32
      %scan3A_113 = arith.addi %scan3A_99, %scan3A_112 : i32
      %mul3A_114 = arith.constant 16 : i32
      %mul3A_115 = arith.muli %scan3A_113, %mul3A_114 : i32
      %swap3A_116 = arith.index_cast %mul3A_115 : i32 to index
      %swap3A_117 = tpu.vector_load %arg9[%swap3A_116] {strides = array<i32>} : memref<4096xf32, #tpu.memory_space<vmem>>, vector<16xf32>,
      tpu.vector_store %arg9[%swap3A_116], %broadcast_in_dim3A_31 {strides = array<i32>} : memref<4096xf32, #tpu.memory_space<vmem>>, vector<16xf32>,
      %scan3A_118 = arith.constant 0 : i32
      %scan3A_119 = arith.constant 3 : i32
      %scan3A_120 = arith.addi %scan3A_99, %scan3A_119 : i32
      %mul3A_121 = arith.constant 16 : i32
      %mul3A_122 = arith.muli %scan3A_120, %mul3A_121 : i32
      %swap3A_123 = arith.index_cast %mul3A_122 : i32 to index
      %swap3A_124 = tpu.vector_load %arg9[%swap3A_123] {strides = array<i32>} : memref<4096xf32, #tpu.memory_space<vmem>>, vector<16xf32>,
      tpu.vector_store %arg9[%swap3A_123], %broadcast_in_dim3A_31 {strides = array<i32>} : memref<4096xf32, #tpu.memory_space<vmem>>, vector<16xf32>,
      %scan3A_125 = arith.constant 0 : i32
      %scan3A_126 = arith.constant 4 : i32
      %scan3A_127 = arith.addi %scan3A_99, %scan3A_126 : i32
      %mul3A_128 = arith.constant 16 : i32
      %mul3A_129 = arith.muli %scan3A_127, %mul3A_128 : i32
      %swap3A_130 = arith.index_cast %mul3A_129 : i32 to index
      %swap3A_131 = tpu.vector_load %arg9[%swap3A_130] {strides = array<i32>} : memref<4096xf32, #tpu.memory_space<vmem>>, vector<16xf32>,
      tpu.vector_store %arg9[%swap3A_130], %broadcast_in_dim3A_31 {strides = array<i32>} : memref<4096xf32, #tpu.memory_space<vmem>>, vector<16xf32>,
      %scan3A_132 = arith.constant 0 : i32
      %scan3A_133 = arith.constant 5 : i32
      %scan3A_134 = arith.addi %scan3A_99, %scan3A_133 : i32
      %mul3A_135 = arith.constant 16 : i32
      %mul3A_136 = arith.muli %scan3A_134, %mul3A_135 : i32
      %swap3A_137 = arith.index_cast %mul3A_136 : i32 to index
      %swap3A_138 = tpu.vector_load %arg9[%swap3A_137] {strides = array<i32>} : memref<4096xf32, #tpu.memory_space<vmem>>, vector<16xf32>,
      tpu.vector_store %arg9[%swap3A_137], %broadcast_in_dim3A_31 {strides = array<i32>} : memref<4096xf32, #tpu.memory_space<vmem>>, vector<16xf32>,
      %scan3A_139 = arith.constant 0 : i32
      %scan3A_140 = arith.constant 6 : i32
      %scan3A_141 = arith.addi %scan3A_99, %scan3A_140 : i32
      %mul3A_142 = arith.constant 16 : i32
      %mul3A_143 = arith.muli %scan3A_141, %mul3A_142 : i32
      %swap3A_144 = arith.index_cast %mul3A_143 : i32 to index
      %swap3A_145 = tpu.vector_load %arg9[%swap3A_144] {strides = array<i32>} : memref<4096xf32, #tpu.memory_space<vmem>>, vector<16xf32>,
      tpu.vector_store %arg9[%swap3A_144], %broadcast_in_dim3A_31 {strides = array<i32>} : memref<4096xf32, #tpu.memory_space<vmem>>, vector<16xf32>,
      %scan3A_146 = arith.constant 0 : i32
      %scan3A_147 = arith.constant 7 : i32
      %scan3A_148 = arith.addi %scan3A_99, %scan3A_147 : i32
      %mul3A_149 = arith.constant 16 : i32
      %mul3A_150 = arith.muli %scan3A_148, %mul3A_149 : i32
      %swap3A_151 = arith.index_cast %mul3A_150 : i32 to index
      %swap3A_152 = tpu.vector_load %arg9[%swap3A_151] {strides = array<i32>} : memref<4096xf32, #tpu.memory_space<vmem>>, vector<16xf32>,
      tpu.vector_store %arg9[%swap3A_151], %broadcast_in_dim3A_31 {strides = array<i32>} : memref<4096xf32, #tpu.memory_space<vmem>>, vector<16xf32>,
      %scan3A_153 = arith.constant 0 : i32
      scf.yield %scan3A_153 : i32
    }
    %scan3A_48 = arith.constant 256 : i32
    %mul3A_49 = arith.constant 16 : i32
    %mul3A_50 = arith.muli %select_n3A_30, %mul3A_49 : i32
    %add3A_51 = arith.constant 0 : i32
    %add3A_52 = arith.addi %mul3A_50, %add3A_51 : i32
    %mul3A_53 = arith.constant 64 : i32
    %mul3A_54 = arith.muli %select_n3A, %mul3A_53 : i32
    %add3A_55 = arith.addi %mul3A_54, %add3A_52 : i32
    %mul3A_56 = arith.constant 32768 : i32
    %mul3A_57 = arith.muli %add3A_55, %mul3A_56 : i32
    %add3A_58 = arith.constant 0 : i32
    %add3A_59 = arith.addi %mul3A_57, %add3A_58 : i32
    %dma_start3A = arith.constant 0 : i32
    %dma_start3A_60 = arith.constant 0 : i32
    %dma_start3A_61 = tpu.memref_slice %arg7[%dma_start3A, %dma_start3A_60] : memref<2x4096xi32, #tpu.memory_space<vmem>> -> memref<1x4096xi32, #tpu.memory_space<vmem>>
    %dma_start3A_62 = tpu.memref_squeeze %dma_start3A_61 : memref<1x4096xi32, #tpu.memory_space<vmem>> -> memref<4096xi32, #tpu.memory_space<vmem>>
    %dma_start3A_63 = tpu.memref_slice %arg2[%add3A_59] : memref<16777216xi32, #tpu.memory_space<hbm>> -> memref<4096xi32, #tpu.memory_space<hbm>>
    %dma_start3A_64 = arith.constant 0 : i32
    %dma_start3A_65 = tpu.memref_slice %arg7[%dma_start3A, %dma_start3A_64] : memref<2x4096xi32, #tpu.memory_space<vmem>> -> memref<1x4096xi32, #tpu.memory_space<vmem>>
    %dma_start3A_66 = tpu.memref_squeeze %dma_start3A_65 : memref<1x4096xi32, #tpu.memory_space<vmem>> -> memref<4096xi32, #tpu.memory_space<vmem>>
    %dma_start3A_67 = tpu.memref_slice %arg2[%add3A_59] : memref<16777216xi32, #tpu.memory_space<hbm>> -> memref<4096xi32, #tpu.memory_space<hbm>>
    tpu.enqueue_dma source(%dma_start3A_67 : memref<4096xi32, #tpu.memory_space<hbm>>) target(%dma_start3A_66 : memref<4096xi32, #tpu.memory_space<vmem>>) target_semaphore(%arg11 : memref<!tpu.dma_semaphore, #tpu.memory_space<semaphore_mem>>)
    %scan3A_68 = arith.constant 0 : i32
    %scan3A_69 = arith.constant 0 : i32
    %scan3A_70 = arith.constant 128 : i32
    %scan3A_71 = arith.addi %scan3A_69, %scan3A_70 : i32
    %scan3A_72 = arith.constant 1 : i32
    %scan3A_73 = scf.for %scan3A_99 = %scan3A_69 to %scan3A_71 step %scan3A_72 iter_args(%scan3A_100 = %scan3A_68) -> (i32)  : i32 {
      %add3A_101 = arith.constant 1 : i32
      %add3A_102 = arith.addi %scan3A_99, %add3A_101 : i32
      %lt3A_103 = arith.constant 128 : i32
      %lt3A_104 = arith.cmpi slt, %add3A_102, %lt3A_103 : i32
      %convert_element_type3A_105 = arith.extui %lt3A_104 : i1 to i32
      %cond3A_106 = arith.constant 0 : i32
      %cond3A_107 = arith.cmpi ne, %convert_element_type3A_105, %cond3A_106 : i32
      scf.if %cond3A_107 {
        %add3A_297 = arith.constant 1 : i32
        %add3A_298 = arith.addi %scan3A_99, %add3A_297 : i32
        %jit3A_299 = arith.constant 8 : i32
        %div3A_300 = arith.divsi %add3A_298, %jit3A_299 : i32
        %sign3A_301 = arith.constant 0 : i32
        %sign3A_302 = arith.cmpi sgt, %add3A_298, %sign3A_301 : i32
        %sign3A_303 = arith.extui %sign3A_302 : i1 to i32
        %sign3A_304 = arith.constant 0 : i32
        %sign3A_305 = arith.cmpi slt, %add3A_298, %sign3A_304 : i32
        %sign3A_306 = arith.extui %sign3A_305 : i1 to i32
        %sign3A_307 = arith.subi %sign3A_303, %sign3A_306 : i32
        %sign3A_308 = arith.constant 0 : i32
        %sign3A_309 = arith.cmpi sgt, %jit3A_299, %sign3A_308 : i32
        %sign3A_310 = arith.extui %sign3A_309 : i1 to i32
        %sign3A_311 = arith.constant 0 : i32
        %sign3A_312 = arith.cmpi slt, %jit3A_299, %sign3A_311 : i32
        %sign3A_313 = arith.extui %sign3A_312 : i1 to i32
        %sign3A_314 = arith.subi %sign3A_310, %sign3A_313 : i32
        %ne3A_315 = arith.cmpi ne, %sign3A_307, %sign3A_314 : i32
        %rem3A_316 = arith.remsi %add3A_298, %jit3A_299 : i32
        %ne3A_317 = arith.constant 0 : i32
        %ne3A_318 = arith.cmpi ne, %rem3A_316, %ne3A_317 : i32
        %and3A_319 = arith.andi %ne3A_315, %ne3A_318 : i1
        %sub3A_320 = arith.constant 1 : i32
        %sub3A_321 = arith.subi %div3A_300, %sub3A_320 : i32
        %select_n3A_322 = arith.select %and3A_319, %sub3A_321, %div3A_300 : i32
        %jit3A_323 = arith.constant 8 : i32
        %eq3A_324 = arith.constant 0 : i32
        %eq3A_325 = arith.cmpi eq, %jit3A_323, %eq3A_324 : i32
        %jit3A_326 = arith.constant 1 : i32
        %select_n3A_327 = arith.select %eq3A_325, %jit3A_326, %jit3A_323 : i32
        %rem3A_328 = arith.remsi %add3A_298, %select_n3A_327 : i32
        %ne3A_329 = arith.constant 0 : i32
        %ne3A_330 = arith.cmpi ne, %rem3A_328, %ne3A_329 : i32
        %lt3A_331 = arith.constant 0 : i32
        %lt3A_332 = arith.cmpi slt, %rem3A_328, %lt3A_331 : i32
        %lt3A_333 = arith.constant 0 : i32
        %lt3A_334 = arith.cmpi slt, %select_n3A_327, %lt3A_333 : i32
        %ne3A_335 = arith.xori %lt3A_332, %lt3A_334 : i1
        %and3A_336 = arith.andi %ne3A_335, %ne3A_330 : i1
        %add3A_337 = arith.addi %rem3A_328, %select_n3A_327 : i32
        %select_n3A_338 = arith.select %and3A_336, %add3A_337, %rem3A_328 : i32
        %mul3A_339 = arith.constant 16 : i32
        %mul3A_340 = arith.muli %select_n3A_30, %mul3A_339 : i32
        %add3A_341 = arith.addi %mul3A_340, %select_n3A_322 : i32
        %mul3A_342 = arith.constant 64 : i32
        %mul3A_343 = arith.muli %select_n3A, %mul3A_342 : i32
        %add3A_344 = arith.addi %mul3A_343, %add3A_341 : i32
        %mul3A_345 = arith.constant 32768 : i32
        %mul3A_346 = arith.muli %add3A_344, %mul3A_345 : i32
        %jit3A_347 = arith.constant 2 : i32
        %eq3A_348 = arith.constant 0 : i32
        %eq3A_349 = arith.cmpi eq, %jit3A_347, %eq3A_348 : i32
        %jit3A_350 = arith.constant 1 : i32
        %select_n3A_351 = arith.select %eq3A_349, %jit3A_350, %jit3A_347 : i32
        %rem3A_352 = arith.remsi %add3A_298, %select_n3A_351 : i32
        %ne3A_353 = arith.constant 0 : i32
        %ne3A_354 = arith.cmpi ne, %rem3A_352, %ne3A_353 : i32
        %lt3A_355 = arith.constant 0 : i32
        %lt3A_356 = arith.cmpi slt, %rem3A_352, %lt3A_355 : i32
        %lt3A_357 = arith.constant 0 : i32
        %lt3A_358 = arith.cmpi slt, %select_n3A_351, %lt3A_357 : i32
        %ne3A_359 = arith.xori %lt3A_356, %lt3A_358 : i1
        %and3A_360 = arith.andi %ne3A_359, %ne3A_354 : i1
        %add3A_361 = arith.addi %rem3A_352, %select_n3A_351 : i32
        %select_n3A_362 = arith.select %and3A_360, %add3A_361, %rem3A_352 : i32
        %mul3A_363 = arith.constant 4096 : i32
        %mul3A_364 = arith.muli %select_n3A_338, %mul3A_363 : i32
        %add3A_365 = arith.addi %mul3A_346, %mul3A_364 : i32
        %dma_start3A_366 = arith.constant 0 : i32
        %dma_start3A_367 = tpu.memref_slice %arg7[%select_n3A_362, %dma_start3A_366] : memref<2x4096xi32, #tpu.memory_space<vmem>> -> memref<1x4096xi32, #tpu.memory_space<vmem>>
        %dma_start3A_368 = tpu.memref_squeeze %dma_start3A_367 : memref<1x4096xi32, #tpu.memory_space<vmem>> -> memref<4096xi32, #tpu.memory_space<vmem>>
        %dma_start3A_369 = tpu.memref_slice %arg2[%add3A_365] : memref<16777216xi32, #tpu.memory_space<hbm>> -> memref<4096xi32, #tpu.memory_space<hbm>>
        %dma_start3A_370 = arith.constant 0 : i32
        %dma_start3A_371 = tpu.memref_slice %arg7[%select_n3A_362, %dma_start3A_370] : memref<2x4096xi32, #tpu.memory_space<vmem>> -> memref<1x4096xi32, #tpu.memory_space<vmem>>
        %dma_start3A_372 = tpu.memref_squeeze %dma_start3A_371 : memref<1x4096xi32, #tpu.memory_space<vmem>> -> memref<4096xi32, #tpu.memory_space<vmem>>
        %dma_start3A_373 = tpu.memref_slice %arg2[%add3A_365] : memref<16777216xi32, #tpu.memory_space<hbm>> -> memref<4096xi32, #tpu.memory_space<hbm>>
        tpu.enqueue_dma source(%dma_start3A_373 : memref<4096xi32, #tpu.memory_space<hbm>>) target(%dma_start3A_372 : memref<4096xi32, #tpu.memory_space<vmem>>) target_semaphore(%arg11 : memref<!tpu.dma_semaphore, #tpu.memory_space<semaphore_mem>>)
      } else {
      }
      %jit3A_108 = arith.constant 2 : i32
      %eq3A_109 = arith.constant 0 : i32
      %eq3A_110 = arith.cmpi eq, %jit3A_108, %eq3A_109 : i32
      %jit3A_111 = arith.constant 1 : i32
      %select_n3A_112 = arith.select %eq3A_110, %jit3A_111, %jit3A_108 : i32
      %rem3A_113 = arith.remsi %scan3A_99, %select_n3A_112 : i32
      %ne3A_114 = arith.constant 0 : i32
      %ne3A_115 = arith.cmpi ne, %rem3A_113, %ne3A_114 : i32
      %lt3A_116 = arith.constant 0 : i32
      %lt3A_117 = arith.cmpi slt, %rem3A_113, %lt3A_116 : i32
      %lt3A_118 = arith.constant 0 : i32
      %lt3A_119 = arith.cmpi slt, %select_n3A_112, %lt3A_118 : i32
      %ne3A_120 = arith.xori %lt3A_117, %lt3A_119 : i1
      %and3A_121 = arith.andi %ne3A_120, %ne3A_115 : i1
      %add3A_122 = arith.addi %rem3A_113, %select_n3A_112 : i32
      %select_n3A_123 = arith.select %and3A_121, %add3A_122, %rem3A_113 : i32
      %dma_wait3A_124 = arith.constant 0 : i32
      %dma_wait3A_125 = tpu.memref_slice %arg7[%select_n3A_123, %dma_wait3A_124] : memref<2x4096xi32, #tpu.memory_space<vmem>> -> memref<1x4096xi32, #tpu.memory_space<vmem>>
      %dma_wait3A_126 = tpu.memref_squeeze %dma_wait3A_125 : memref<1x4096xi32, #tpu.memory_space<vmem>> -> memref<4096xi32, #tpu.memory_space<vmem>>
      %dma_wait3A_127 = arith.constant 0 : i32
      %dma_wait3A_128 = tpu.memref_slice %arg2[%dma_wait3A_127] : memref<16777216xi32, #tpu.memory_space<hbm>> -> memref<4096xi32, #tpu.memory_space<hbm>>
      %dma_wait3A_129 = arith.constant 0 : i32
      %dma_wait3A_130 = tpu.memref_slice %arg7[%select_n3A_123, %dma_wait3A_129] : memref<2x4096xi32, #tpu.memory_space<vmem>> -> memref<1x4096xi32, #tpu.memory_space<vmem>>
      %dma_wait3A_131 = tpu.memref_squeeze %dma_wait3A_130 : memref<1x4096xi32, #tpu.memory_space<vmem>> -> memref<4096xi32, #tpu.memory_space<vmem>>
      %dma_wait3A_132 = arith.constant 0 : i32
      %dma_wait3A_133 = tpu.memref_slice %arg2[%dma_wait3A_132] : memref<16777216xi32, #tpu.memory_space<hbm>> -> memref<4096xi32, #tpu.memory_space<hbm>>
      tpu.wait_dma2 semaphore(%arg11 : memref<!tpu.dma_semaphore, #tpu.memory_space<semaphore_mem>>) src(%dma_wait3A_133 : memref<4096xi32, #tpu.memory_space<hbm>>) dst(%dma_wait3A_131 : memref<4096xi32, #tpu.memory_space<vmem>>)
      %jit3A_134 = arith.constant 2 : i32
      %eq3A_135 = arith.constant 0 : i32
      %eq3A_136 = arith.cmpi eq, %jit3A_134, %eq3A_135 : i32
      %jit3A_137 = arith.constant 1 : i32
      %select_n3A_138 = arith.select %eq3A_136, %jit3A_137, %jit3A_134 : i32
      %rem3A_139 = arith.remsi %scan3A_99, %select_n3A_138 : i32
      %ne3A_140 = arith.constant 0 : i32
      %ne3A_141 = arith.cmpi ne, %rem3A_139, %ne3A_140 : i32
      %lt3A_142 = arith.constant 0 : i32
      %lt3A_143 = arith.cmpi slt, %rem3A_139, %lt3A_142 : i32
      %lt3A_144 = arith.constant 0 : i32
      %lt3A_145 = arith.cmpi slt, %select_n3A_138, %lt3A_144 : i32
      %ne3A_146 = arith.xori %lt3A_143, %lt3A_145 : i1
      %and3A_147 = arith.andi %ne3A_146, %ne3A_141 : i1
      %add3A_148 = arith.addi %rem3A_139, %select_n3A_138 : i32
      %select_n3A_149 = arith.select %and3A_147, %add3A_148, %rem3A_139 : i32
      %jit3A_150 = arith.constant 8 : i32
      %eq3A_151 = arith.constant 0 : i32
      %eq3A_152 = arith.cmpi eq, %jit3A_150, %eq3A_151 : i32
      %jit3A_153 = arith.constant 1 : i32
      %select_n3A_154 = arith.select %eq3A_152, %jit3A_153, %jit3A_150 : i32
      %rem3A_155 = arith.remsi %scan3A_99, %select_n3A_154 : i32
      %ne3A_156 = arith.constant 0 : i32
      %ne3A_157 = arith.cmpi ne, %rem3A_155, %ne3A_156 : i32
      %lt3A_158 = arith.constant 0 : i32
      %lt3A_159 = arith.cmpi slt, %rem3A_155, %lt3A_158 : i32
      %lt3A_160 = arith.constant 0 : i32
      %lt3A_161 = arith.cmpi slt, %select_n3A_154, %lt3A_160 : i32
      %ne3A_162 = arith.xori %lt3A_159, %lt3A_161 : i1
      %and3A_163 = arith.andi %ne3A_162, %ne3A_157 : i1
      %add3A_164 = arith.addi %rem3A_155, %select_n3A_154 : i32
      %select_n3A_165 = arith.select %and3A_163, %add3A_164, %rem3A_155 : i32
      %mul3A_166 = arith.constant 4096 : i32
      %mul3A_167 = arith.muli %select_n3A_165, %mul3A_166 : i32
      %add3A_168 = arith.constant 0 : i32
      %add3A_169 = arith.addi %mul3A_167, %add3A_168 : i32
      %get3A = arith.index_cast %add3A_169 : i32 to index
      %get3A_170 = tpu.vector_load %arg6[%get3A] {strides = array<i32>} : memref<32768xi32, #tpu.memory_space<vmem>>, vector<16xi32>,
      %get3A_171 = arith.index_cast %select_n3A_149 : i32 to index
      %get3A_172 = arith.constant 0 : index
      %get3A_173 = tpu.vector_load %arg7[%get3A_171, %get3A_172] {strides = array<i32>} : memref<2x4096xi32, #tpu.memory_space<vmem>>, vector<16xi32>,
      %shift_left3A = arith.constant 16 : i32
      %shift_left3A_174 = vector.broadcast %shift_left3A : i32 to vector<16xi32>
      %shift_left3A_175 = arith.shli %get3A_173, %shift_left3A_174 : vector<16xi32>
      %bitcast3A = vector.bitcast %shift_left3A_175 : vector<16xi32> to vector<16xf32>
      %and3A_176 = arith.constant -65536 : i32
      %and3A_177 = vector.broadcast %and3A_176 : i32 to vector<16xi32>
      %and3A_178 = arith.andi %get3A_173, %and3A_177 : vector<16xi32>
      %bitcast3A_179 = vector.bitcast %and3A_178 : vector<16xi32> to vector<16xf32>
      %scan3A_180 = arith.constant 0 : i32
      %scan3A_181 = arith.constant 252 : i32
      %scan3A_182 = arith.addi %scan3A_180, %scan3A_181 : i32
      %scan3A_183 = arith.constant 4 : i32
      %scan3A_184:3 = scf.for %scan3A_297 = %scan3A_180 to %scan3A_182 step %scan3A_183 iter_args(%scan3A_298 = %get3A_170, %scan3A_299 = %bitcast3A, %scan3A_300 = %bitcast3A_179) -> (vector<16xi32>, vector<16xf32>, vector<16xf32>)  : i32 {
        %add3A_301 = arith.constant 1 : i32
        %add3A_302 = arith.addi %scan3A_297, %add3A_301 : i32
        %mul3A_303 = arith.constant 16 : i32
        %mul3A_304 = arith.muli %add3A_302, %mul3A_303 : i32
        %add3A_305 = arith.addi %mul3A_167, %mul3A_304 : i32
        %get3A_306 = arith.index_cast %add3A_305 : i32 to index
        %get3A_307 = tpu.vector_load %arg6[%get3A_306] {strides = array<i32>} : memref<32768xi32, #tpu.memory_space<vmem>>, vector<16xi32>,
        %mul3A_308 = arith.constant 16 : i32
        %mul3A_309 = arith.muli %add3A_302, %mul3A_308 : i32
        %get3A_310 = arith.index_cast %select_n3A_149 : i32 to index
        %get3A_311 = arith.index_cast %mul3A_309 : i32 to index
        %get3A_312 = tpu.vector_load %arg7[%get3A_310, %get3A_311] {strides = array<i32>} : memref<2x4096xi32, #tpu.memory_space<vmem>>, vector<16xi32>,
        %shift_left3A_313 = arith.constant 16 : i32
        %shift_left3A_314 = vector.broadcast %shift_left3A_313 : i32 to vector<16xi32>
        %shift_left3A_315 = arith.shli %get3A_312, %shift_left3A_314 : vector<16xi32>
        %bitcast3A_316 = vector.bitcast %shift_left3A_315 : vector<16xi32> to vector<16xf32>
        %and3A_317 = arith.constant -65536 : i32
        %and3A_318 = vector.broadcast %and3A_317 : i32 to vector<16xi32>
        %and3A_319 = arith.andi %get3A_312, %and3A_318 : vector<16xi32>
        %bitcast3A_320 = vector.bitcast %and3A_319 : vector<16xi32> to vector<16xf32>
        %and3A_321 = arith.constant 65535 : i32
        %and3A_322 = vector.broadcast %and3A_321 : i32 to vector<16xi32>
        %and3A_323 = arith.andi %scan3A_298, %and3A_322 : vector<16xi32>
        %shift_right_logical3A_324 = arith.constant 16 : i32
        %shift_right_logical3A_325 = vector.broadcast %shift_right_logical3A_324 : i32 to vector<16xi32>
        %shift_right_logical3A_326 = arith.shrui %scan3A_298, %shift_right_logical3A_325 : vector<16xi32>
        tpu.vector_store_idx %arg8[%and3A_323], %scan3A_299 {add = true} : memref<65536xf32, #tpu.memory_space<vmem>>[vector<16xi32>], vector<16xf32>,
        tpu.vector_store_idx %arg8[%shift_right_logical3A_326], %scan3A_300 {add = true} : memref<65536xf32, #tpu.memory_space<vmem>>[vector<16xi32>], vector<16xf32>,
        %scan3A_327 = arith.constant 1 : i32
        %scan3A_328 = arith.addi %scan3A_297, %scan3A_327 : i32
        %add3A_329 = arith.constant 1 : i32
        %add3A_330 = arith.addi %scan3A_328, %add3A_329 : i32
        %mul3A_331 = arith.constant 16 : i32
        %mul3A_332 = arith.muli %add3A_330, %mul3A_331 : i32
        %add3A_333 = arith.addi %mul3A_167, %mul3A_332 : i32
        %get3A_334 = arith.index_cast %add3A_333 : i32 to index
        %get3A_335 = tpu.vector_load %arg6[%get3A_334] {strides = array<i32>} : memref<32768xi32, #tpu.memory_space<vmem>>, vector<16xi32>,
        %mul3A_336 = arith.constant 16 : i32
        %mul3A_337 = arith.muli %add3A_330, %mul3A_336 : i32
        %get3A_338 = arith.index_cast %select_n3A_149 : i32 to index
        %get3A_339 = arith.index_cast %mul3A_337 : i32 to index
        %get3A_340 = tpu.vector_load %arg7[%get3A_338, %get3A_339] {strides = array<i32>} : memref<2x4096xi32, #tpu.memory_space<vmem>>, vector<16xi32>,
        %shift_left3A_341 = arith.constant 16 : i32
        %shift_left3A_342 = vector.broadcast %shift_left3A_341 : i32 to vector<16xi32>
        %shift_left3A_343 = arith.shli %get3A_340, %shift_left3A_342 : vector<16xi32>
        %bitcast3A_344 = vector.bitcast %shift_left3A_343 : vector<16xi32> to vector<16xf32>
        %and3A_345 = arith.constant -65536 : i32
        %and3A_346 = vector.broadcast %and3A_345 : i32 to vector<16xi32>
        %and3A_347 = arith.andi %get3A_340, %and3A_346 : vector<16xi32>
        %bitcast3A_348 = vector.bitcast %and3A_347 : vector<16xi32> to vector<16xf32>
        %and3A_349 = arith.constant 65535 : i32
        %and3A_350 = vector.broadcast %and3A_349 : i32 to vector<16xi32>
        %and3A_351 = arith.andi %get3A_307, %and3A_350 : vector<16xi32>
        %shift_right_logical3A_352 = arith.constant 16 : i32
        %shift_right_logical3A_353 = vector.broadcast %shift_right_logical3A_352 : i32 to vector<16xi32>
        %shift_right_logical3A_354 = arith.shrui %get3A_307, %shift_right_logical3A_353 : vector<16xi32>
        tpu.vector_store_idx %arg8[%and3A_351], %bitcast3A_316 {add = true} : memref<65536xf32, #tpu.memory_space<vmem>>[vector<16xi32>], vector<16xf32>,
        tpu.vector_store_idx %arg8[%shift_right_logical3A_354], %bitcast3A_320 {add = true} : memref<65536xf32, #tpu.memory_space<vmem>>[vector<16xi32>], vector<16xf32>,
        %scan3A_355 = arith.constant 2 : i32
        %scan3A_356 = arith.addi %scan3A_297, %scan3A_355 : i32
        %add3A_357 = arith.constant 1 : i32
        %add3A_358 = arith.addi %scan3A_356, %add3A_357 : i32
        %mul3A_359 = arith.constant 16 : i32
        %mul3A_360 = arith.muli %add3A_358, %mul3A_359 : i32
        %add3A_361 = arith.addi %mul3A_167, %mul3A_360 : i32
        %get3A_362 = arith.index_cast %add3A_361 : i32 to index
        %get3A_363 = tpu.vector_load %arg6[%get3A_362] {strides = array<i32>} : memref<32768xi32, #tpu.memory_space<vmem>>, vector<16xi32>,
        %mul3A_364 = arith.constant 16 : i32
        %mul3A_365 = arith.muli %add3A_358, %mul3A_364 : i32
        %get3A_366 = arith.index_cast %select_n3A_149 : i32 to index
        %get3A_367 = arith.index_cast %mul3A_365 : i32 to index
        %get3A_368 = tpu.vector_load %arg7[%get3A_366, %get3A_367] {strides = array<i32>} : memref<2x4096xi32, #tpu.memory_space<vmem>>, vector<16xi32>,
        %shift_left3A_369 = arith.constant 16 : i32
        %shift_left3A_370 = vector.broadcast %shift_left3A_369 : i32 to vector<16xi32>
        %shift_left3A_371 = arith.shli %get3A_368, %shift_left3A_370 : vector<16xi32>
        %bitcast3A_372 = vector.bitcast %shift_left3A_371 : vector<16xi32> to vector<16xf32>
        %and3A_373 = arith.constant -65536 : i32
        %and3A_374 = vector.broadcast %and3A_373 : i32 to vector<16xi32>
        %and3A_375 = arith.andi %get3A_368, %and3A_374 : vector<16xi32>
        %bitcast3A_376 = vector.bitcast %and3A_375 : vector<16xi32> to vector<16xf32>
        %and3A_377 = arith.constant 65535 : i32
        %and3A_378 = vector.broadcast %and3A_377 : i32 to vector<16xi32>
        %and3A_379 = arith.andi %get3A_335, %and3A_378 : vector<16xi32>
        %shift_right_logical3A_380 = arith.constant 16 : i32
        %shift_right_logical3A_381 = vector.broadcast %shift_right_logical3A_380 : i32 to vector<16xi32>
        %shift_right_logical3A_382 = arith.shrui %get3A_335, %shift_right_logical3A_381 : vector<16xi32>
        tpu.vector_store_idx %arg8[%and3A_379], %bitcast3A_344 {add = true} : memref<65536xf32, #tpu.memory_space<vmem>>[vector<16xi32>], vector<16xf32>,
        tpu.vector_store_idx %arg8[%shift_right_logical3A_382], %bitcast3A_348 {add = true} : memref<65536xf32, #tpu.memory_space<vmem>>[vector<16xi32>], vector<16xf32>,
        %scan3A_383 = arith.constant 3 : i32
        %scan3A_384 = arith.addi %scan3A_297, %scan3A_383 : i32
        %add3A_385 = arith.constant 1 : i32
        %add3A_386 = arith.addi %scan3A_384, %add3A_385 : i32
        %mul3A_387 = arith.constant 16 : i32
        %mul3A_388 = arith.muli %add3A_386, %mul3A_387 : i32
        %add3A_389 = arith.addi %mul3A_167, %mul3A_388 : i32
        %get3A_390 = arith.index_cast %add3A_389 : i32 to index
        %get3A_391 = tpu.vector_load %arg6[%get3A_390] {strides = array<i32>} : memref<32768xi32, #tpu.memory_space<vmem>>, vector<16xi32>,
        %mul3A_392 = arith.constant 16 : i32
        %mul3A_393 = arith.muli %add3A_386, %mul3A_392 : i32
        %get3A_394 = arith.index_cast %select_n3A_149 : i32 to index
        %get3A_395 = arith.index_cast %mul3A_393 : i32 to index
        %get3A_396 = tpu.vector_load %arg7[%get3A_394, %get3A_395] {strides = array<i32>} : memref<2x4096xi32, #tpu.memory_space<vmem>>, vector<16xi32>,
        %shift_left3A_397 = arith.constant 16 : i32
        %shift_left3A_398 = vector.broadcast %shift_left3A_397 : i32 to vector<16xi32>
        %shift_left3A_399 = arith.shli %get3A_396, %shift_left3A_398 : vector<16xi32>
        %bitcast3A_400 = vector.bitcast %shift_left3A_399 : vector<16xi32> to vector<16xf32>
        %and3A_401 = arith.constant -65536 : i32
        %and3A_402 = vector.broadcast %and3A_401 : i32 to vector<16xi32>
        %and3A_403 = arith.andi %get3A_396, %and3A_402 : vector<16xi32>
        %bitcast3A_404 = vector.bitcast %and3A_403 : vector<16xi32> to vector<16xf32>
        %and3A_405 = arith.constant 65535 : i32
        %and3A_406 = vector.broadcast %and3A_405 : i32 to vector<16xi32>
        %and3A_407 = arith.andi %get3A_363, %and3A_406 : vector<16xi32>
        %shift_right_logical3A_408 = arith.constant 16 : i32
        %shift_right_logical3A_409 = vector.broadcast %shift_right_logical3A_408 : i32 to vector<16xi32>
        %shift_right_logical3A_410 = arith.shrui %get3A_363, %shift_right_logical3A_409 : vector<16xi32>
        tpu.vector_store_idx %arg8[%and3A_407], %bitcast3A_372 {add = true} : memref<65536xf32, #tpu.memory_space<vmem>>[vector<16xi32>], vector<16xf32>,
        tpu.vector_store_idx %arg8[%shift_right_logical3A_410], %bitcast3A_376 {add = true} : memref<65536xf32, #tpu.memory_space<vmem>>[vector<16xi32>], vector<16xf32>,
        scf.yield %get3A_391, %bitcast3A_400, %bitcast3A_404 : vector<16xi32>, vector<16xf32>, vector<16xf32>
      }
      %scan3A_185 = arith.constant 252 : i32
      %scan3A_186 = arith.addi %scan3A_180, %scan3A_185 : i32
      %add3A_187 = arith.constant 1 : i32
      %add3A_188 = arith.addi %scan3A_186, %add3A_187 : i32
      %mul3A_189 = arith.constant 16 : i32
      %mul3A_190 = arith.muli %add3A_188, %mul3A_189 : i32
      %add3A_191 = arith.addi %mul3A_167, %mul3A_190 : i32
      %get3A_192 = arith.index_cast %add3A_191 : i32 to index
      %get3A_193 = tpu.vector_load %arg6[%get3A_192] {strides = array<i32>} : memref<32768xi32, #tpu.memory_space<vmem>>, vector<16xi32>,
      %mul3A_194 = arith.constant 16 : i32
      %mul3A_195 = arith.muli %add3A_188, %mul3A_194 : i32
      %get3A_196 = arith.index_cast %select_n3A_149 : i32 to index
      %get3A_197 = arith.index_cast %mul3A_195 : i32 to index
      %get3A_198 = tpu.vector_load %arg7[%get3A_196, %get3A_197] {strides = array<i32>} : memref<2x4096xi32, #tpu.memory_space<vmem>>, vector<16xi32>,
      %shift_left3A_199 = arith.constant 16 : i32
      %shift_left3A_200 = vector.broadcast %shift_left3A_199 : i32 to vector<16xi32>
      %shift_left3A_201 = arith.shli %get3A_198, %shift_left3A_200 : vector<16xi32>
      %bitcast3A_202 = vector.bitcast %shift_left3A_201 : vector<16xi32> to vector<16xf32>
      %and3A_203 = arith.constant -65536 : i32
      %and3A_204 = vector.broadcast %and3A_203 : i32 to vector<16xi32>
      %and3A_205 = arith.andi %get3A_198, %and3A_204 : vector<16xi32>
      %bitcast3A_206 = vector.bitcast %and3A_205 : vector<16xi32> to vector<16xf32>
      %and3A_207 = arith.constant 65535 : i32
      %and3A_208 = vector.broadcast %and3A_207 : i32 to vector<16xi32>
      %and3A_209 = arith.andi %scan3A_184#0, %and3A_208 : vector<16xi32>
      %shift_right_logical3A = arith.constant 16 : i32
      %shift_right_logical3A_210 = vector.broadcast %shift_right_logical3A : i32 to vector<16xi32>
      %shift_right_logical3A_211 = arith.shrui %scan3A_184#0, %shift_right_logical3A_210 : vector<16xi32>
      tpu.vector_store_idx %arg8[%and3A_209], %scan3A_184#1 {add = true} : memref<65536xf32, #tpu.memory_space<vmem>>[vector<16xi32>], vector<16xf32>,
      tpu.vector_store_idx %arg8[%shift_right_logical3A_211], %scan3A_184#2 {add = true} : memref<65536xf32, #tpu.memory_space<vmem>>[vector<16xi32>], vector<16xf32>,
      %scan3A_212 = arith.constant 253 : i32
      %scan3A_213 = arith.addi %scan3A_180, %scan3A_212 : i32
      %add3A_214 = arith.constant 1 : i32
      %add3A_215 = arith.addi %scan3A_213, %add3A_214 : i32
      %mul3A_216 = arith.constant 16 : i32
      %mul3A_217 = arith.muli %add3A_215, %mul3A_216 : i32
      %add3A_218 = arith.addi %mul3A_167, %mul3A_217 : i32
      %get3A_219 = arith.index_cast %add3A_218 : i32 to index
      %get3A_220 = tpu.vector_load %arg6[%get3A_219] {strides = array<i32>} : memref<32768xi32, #tpu.memory_space<vmem>>, vector<16xi32>,
      %mul3A_221 = arith.constant 16 : i32
      %mul3A_222 = arith.muli %add3A_215, %mul3A_221 : i32
      %get3A_223 = arith.index_cast %select_n3A_149 : i32 to index
      %get3A_224 = arith.index_cast %mul3A_222 : i32 to index
      %get3A_225 = tpu.vector_load %arg7[%get3A_223, %get3A_224] {strides = array<i32>} : memref<2x4096xi32, #tpu.memory_space<vmem>>, vector<16xi32>,
      %shift_left3A_226 = arith.constant 16 : i32
      %shift_left3A_227 = vector.broadcast %shift_left3A_226 : i32 to vector<16xi32>
      %shift_left3A_228 = arith.shli %get3A_225, %shift_left3A_227 : vector<16xi32>
      %bitcast3A_229 = vector.bitcast %shift_left3A_228 : vector<16xi32> to vector<16xf32>
      %and3A_230 = arith.constant -65536 : i32
      %and3A_231 = vector.broadcast %and3A_230 : i32 to vector<16xi32>
      %and3A_232 = arith.andi %get3A_225, %and3A_231 : vector<16xi32>
      %bitcast3A_233 = vector.bitcast %and3A_232 : vector<16xi32> to vector<16xf32>
      %and3A_234 = arith.constant 65535 : i32
      %and3A_235 = vector.broadcast %and3A_234 : i32 to vector<16xi32>
      %and3A_236 = arith.andi %get3A_193, %and3A_235 : vector<16xi32>
      %shift_right_logical3A_237 = arith.constant 16 : i32
      %shift_right_logical3A_238 = vector.broadcast %shift_right_logical3A_237 : i32 to vector<16xi32>
      %shift_right_logical3A_239 = arith.shrui %get3A_193, %shift_right_logical3A_238 : vector<16xi32>
      tpu.vector_store_idx %arg8[%and3A_236], %bitcast3A_202 {add = true} : memref<65536xf32, #tpu.memory_space<vmem>>[vector<16xi32>], vector<16xf32>,
      tpu.vector_store_idx %arg8[%shift_right_logical3A_239], %bitcast3A_206 {add = true} : memref<65536xf32, #tpu.memory_space<vmem>>[vector<16xi32>], vector<16xf32>,
      %scan3A_240 = arith.constant 254 : i32
      %scan3A_241 = arith.addi %scan3A_180, %scan3A_240 : i32
      %add3A_242 = arith.constant 1 : i32
      %add3A_243 = arith.addi %scan3A_241, %add3A_242 : i32
      %mul3A_244 = arith.constant 16 : i32
      %mul3A_245 = arith.muli %add3A_243, %mul3A_244 : i32
      %add3A_246 = arith.addi %mul3A_167, %mul3A_245 : i32
      %get3A_247 = arith.index_cast %add3A_246 : i32 to index
      %get3A_248 = tpu.vector_load %arg6[%get3A_247] {strides = array<i32>} : memref<32768xi32, #tpu.memory_space<vmem>>, vector<16xi32>,
      %mul3A_249 = arith.constant 16 : i32
      %mul3A_250 = arith.muli %add3A_243, %mul3A_249 : i32
      %get3A_251 = arith.index_cast %select_n3A_149 : i32 to index
      %get3A_252 = arith.index_cast %mul3A_250 : i32 to index
      %get3A_253 = tpu.vector_load %arg7[%get3A_251, %get3A_252] {strides = array<i32>} : memref<2x4096xi32, #tpu.memory_space<vmem>>, vector<16xi32>,
      %shift_left3A_254 = arith.constant 16 : i32
      %shift_left3A_255 = vector.broadcast %shift_left3A_254 : i32 to vector<16xi32>
      %shift_left3A_256 = arith.shli %get3A_253, %shift_left3A_255 : vector<16xi32>
      %bitcast3A_257 = vector.bitcast %shift_left3A_256 : vector<16xi32> to vector<16xf32>
      %and3A_258 = arith.constant -65536 : i32
      %and3A_259 = vector.broadcast %and3A_258 : i32 to vector<16xi32>
      %and3A_260 = arith.andi %get3A_253, %and3A_259 : vector<16xi32>
      %bitcast3A_261 = vector.bitcast %and3A_260 : vector<16xi32> to vector<16xf32>
      %and3A_262 = arith.constant 65535 : i32
      %and3A_263 = vector.broadcast %and3A_262 : i32 to vector<16xi32>
      %and3A_264 = arith.andi %get3A_220, %and3A_263 : vector<16xi32>
      %shift_right_logical3A_265 = arith.constant 16 : i32
      %shift_right_logical3A_266 = vector.broadcast %shift_right_logical3A_265 : i32 to vector<16xi32>
      %shift_right_logical3A_267 = arith.shrui %get3A_220, %shift_right_logical3A_266 : vector<16xi32>
      tpu.vector_store_idx %arg8[%and3A_264], %bitcast3A_229 {add = true} : memref<65536xf32, #tpu.memory_space<vmem>>[vector<16xi32>], vector<16xf32>,
      tpu.vector_store_idx %arg8[%shift_right_logical3A_267], %bitcast3A_233 {add = true} : memref<65536xf32, #tpu.memory_space<vmem>>[vector<16xi32>], vector<16xf32>,
      %scan3A_268 = arith.constant 255 : i32
      %and3A_269 = arith.constant 65535 : i32
      %and3A_270 = vector.broadcast %and3A_269 : i32 to vector<16xi32>
      %and3A_271 = arith.andi %get3A_248, %and3A_270 : vector<16xi32>
      %shift_right_logical3A_272 = arith.constant 16 : i32
      %shift_right_logical3A_273 = vector.broadcast %shift_right_logical3A_272 : i32 to vector<16xi32>
      %shift_right_logical3A_274 = arith.shrui %get3A_248, %shift_right_logical3A_273 : vector<16xi32>
      tpu.vector_store_idx %arg8[%and3A_271], %bitcast3A_257 {add = true} : memref<65536xf32, #tpu.memory_space<vmem>>[vector<16xi32>], vector<16xf32>,
      tpu.vector_store_idx %arg8[%shift_right_logical3A_274], %bitcast3A_261 {add = true} : memref<65536xf32, #tpu.memory_space<vmem>>[vector<16xi32>], vector<16xf32>,
      %jit3A_275 = arith.constant 8 : i32
      %eq3A_276 = arith.constant 0 : i32
      %eq3A_277 = arith.cmpi eq, %jit3A_275, %eq3A_276 : i32
      %jit3A_278 = arith.constant 1 : i32
      %select_n3A_279 = arith.select %eq3A_277, %jit3A_278, %jit3A_275 : i32
      %rem3A_280 = arith.remsi %scan3A_99, %select_n3A_279 : i32
      %ne3A_281 = arith.constant 0 : i32
      %ne3A_282 = arith.cmpi ne, %rem3A_280, %ne3A_281 : i32
      %lt3A_283 = arith.constant 0 : i32
      %lt3A_284 = arith.cmpi slt, %rem3A_280, %lt3A_283 : i32
      %lt3A_285 = arith.constant 0 : i32
      %lt3A_286 = arith.cmpi slt, %select_n3A_279, %lt3A_285 : i32
      %ne3A_287 = arith.xori %lt3A_284, %lt3A_286 : i1
      %and3A_288 = arith.andi %ne3A_287, %ne3A_282 : i1
      %add3A_289 = arith.addi %rem3A_280, %select_n3A_279 : i32
      %select_n3A_290 = arith.select %and3A_288, %add3A_289, %rem3A_280 : i32
      %eq3A_291 = arith.constant 7 : i32
      %eq3A_292 = arith.cmpi eq, %select_n3A_290, %eq3A_291 : i32
      %convert_element_type3A_293 = arith.extui %eq3A_292 : i1 to i32
      %cond3A_294 = arith.constant 0 : i32
      %cond3A_295 = arith.cmpi ne, %convert_element_type3A_293, %cond3A_294 : i32
      scf.if %cond3A_295 {
        %jit3A_297 = arith.constant 8 : i32
        %div3A_298 = arith.divsi %scan3A_99, %jit3A_297 : i32
        %sign3A_299 = arith.constant 0 : i32
        %sign3A_300 = arith.cmpi sgt, %scan3A_99, %sign3A_299 : i32
        %sign3A_301 = arith.extui %sign3A_300 : i1 to i32
        %sign3A_302 = arith.constant 0 : i32
        %sign3A_303 = arith.cmpi slt, %scan3A_99, %sign3A_302 : i32
        %sign3A_304 = arith.extui %sign3A_303 : i1 to i32
        %sign3A_305 = arith.subi %sign3A_301, %sign3A_304 : i32
        %sign3A_306 = arith.constant 0 : i32
        %sign3A_307 = arith.cmpi sgt, %jit3A_297, %sign3A_306 : i32
        %sign3A_308 = arith.extui %sign3A_307 : i1 to i32
        %sign3A_309 = arith.constant 0 : i32
        %sign3A_310 = arith.cmpi slt, %jit3A_297, %sign3A_309 : i32
        %sign3A_311 = arith.extui %sign3A_310 : i1 to i32
        %sign3A_312 = arith.subi %sign3A_308, %sign3A_311 : i32
        %ne3A_313 = arith.cmpi ne, %sign3A_305, %sign3A_312 : i32
        %rem3A_314 = arith.remsi %scan3A_99, %jit3A_297 : i32
        %ne3A_315 = arith.constant 0 : i32
        %ne3A_316 = arith.cmpi ne, %rem3A_314, %ne3A_315 : i32
        %and3A_317 = arith.andi %ne3A_313, %ne3A_316 : i1
        %sub3A_318 = arith.constant 1 : i32
        %sub3A_319 = arith.subi %div3A_298, %sub3A_318 : i32
        %select_n3A_320 = arith.select %and3A_317, %sub3A_319, %div3A_298 : i32
        %mul3A_321 = arith.constant 16 : i32
        %mul3A_322 = arith.muli %select_n3A_30, %mul3A_321 : i32
        %add3A_323 = arith.addi %mul3A_322, %select_n3A_320 : i32
        %mul3A_324 = arith.constant 64 : i32
        %mul3A_325 = arith.muli %select_n3A, %mul3A_324 : i32
        %add3A_326 = arith.addi %mul3A_325, %add3A_323 : i32
        %mul3A_327 = arith.constant 4096 : i32
        %mul3A_328 = arith.muli %add3A_326, %mul3A_327 : i32
        %jit3A_329 = arith.constant 2 : i32
        %eq3A_330 = arith.constant 0 : i32
        %eq3A_331 = arith.cmpi eq, %jit3A_329, %eq3A_330 : i32
        %jit3A_332 = arith.constant 1 : i32
        %select_n3A_333 = arith.select %eq3A_331, %jit3A_332, %jit3A_329 : i32
        %rem3A_334 = arith.remsi %select_n3A_320, %select_n3A_333 : i32
        %ne3A_335 = arith.constant 0 : i32
        %ne3A_336 = arith.cmpi ne, %rem3A_334, %ne3A_335 : i32
        %lt3A_337 = arith.constant 0 : i32
        %lt3A_338 = arith.cmpi slt, %rem3A_334, %lt3A_337 : i32
        %lt3A_339 = arith.constant 0 : i32
        %lt3A_340 = arith.cmpi slt, %select_n3A_333, %lt3A_339 : i32
        %ne3A_341 = arith.xori %lt3A_338, %lt3A_340 : i1
        %and3A_342 = arith.andi %ne3A_341, %ne3A_336 : i1
        %add3A_343 = arith.addi %rem3A_334, %select_n3A_333 : i32
        %select_n3A_344 = arith.select %and3A_342, %add3A_343, %rem3A_334 : i32
        %ge3A = arith.constant 2 : i32
        %ge3A_345 = arith.cmpi sge, %select_n3A_320, %ge3A : i32
        %convert_element_type3A_346 = arith.extui %ge3A_345 : i1 to i32
        %cond3A_347 = arith.constant 0 : i32
        %cond3A_348 = arith.cmpi ne, %convert_element_type3A_346, %cond3A_347 : i32
        scf.if %cond3A_348 {
          %dma_wait3A_364 = arith.constant 0 : i32
          %dma_wait3A_365 = arith.constant 0 : i32
          %dma_wait3A_366 = tpu.memref_slice %arg10[%dma_wait3A_364, %dma_wait3A_365] : memref<2x4096xf32, #tpu.memory_space<vmem>> -> memref<1x4096xf32, #tpu.memory_space<vmem>>
          %dma_wait3A_367 = tpu.memref_squeeze %dma_wait3A_366 : memref<1x4096xf32, #tpu.memory_space<vmem>> -> memref<4096xf32, #tpu.memory_space<vmem>>
          %dma_wait3A_368 = arith.constant 0 : i32
          %dma_wait3A_369 = tpu.memref_slice %arg4[%dma_wait3A_368] : memref<2097152xf32, #tpu.memory_space<hbm>> -> memref<4096xf32, #tpu.memory_space<hbm>>
          %dma_wait3A_370 = arith.constant 0 : i32
          %dma_wait3A_371 = tpu.memref_slice %arg10[%dma_wait3A_364, %dma_wait3A_370] : memref<2x4096xf32, #tpu.memory_space<vmem>> -> memref<1x4096xf32, #tpu.memory_space<vmem>>
          %dma_wait3A_372 = tpu.memref_squeeze %dma_wait3A_371 : memref<1x4096xf32, #tpu.memory_space<vmem>> -> memref<4096xf32, #tpu.memory_space<vmem>>
          %dma_wait3A_373 = arith.constant 0 : i32
          %dma_wait3A_374 = tpu.memref_slice %arg4[%dma_wait3A_373] : memref<2097152xf32, #tpu.memory_space<hbm>> -> memref<4096xf32, #tpu.memory_space<hbm>>
          tpu.wait_dma2 semaphore(%arg12 : memref<!tpu.dma_semaphore, #tpu.memory_space<semaphore_mem>>) src(%dma_wait3A_374 : memref<4096xf32, #tpu.memory_space<hbm>>) dst(%dma_wait3A_372 : memref<4096xf32, #tpu.memory_space<vmem>>)
        } else {
        }
        %scan3A_349 = arith.constant 0 : i32
        %scan3A_350 = arith.constant 0 : i32
        %scan3A_351 = arith.constant 256 : i32
        %scan3A_352 = arith.addi %scan3A_350, %scan3A_351 : i32
        %scan3A_353 = arith.constant 2 : i32
        %scan3A_354 = scf.for %scan3A_364 = %scan3A_350 to %scan3A_352 step %scan3A_353 iter_args(%scan3A_365 = %scan3A_349) -> (i32)  : i32 {
          %mul3A_366 = arith.constant 16 : i32
          %mul3A_367 = arith.muli %scan3A_364, %mul3A_366 : i32
          %add3A_368 = arith.constant 0 : i32
          %add3A_369 = arith.addi %add3A_368, %mul3A_367 : i32
          %get3A_370 = arith.index_cast %add3A_369 : i32 to index
          %get3A_371 = tpu.vector_load %arg8[%get3A_370] {strides = array<i32>} : memref<65536xf32, #tpu.memory_space<vmem>>, vector<16xf32>,
          %mul3A_372 = arith.constant 16 : i32
          %mul3A_373 = arith.muli %scan3A_364, %mul3A_372 : i32
          %add3A_374 = arith.constant 4096 : i32
          %add3A_375 = arith.addi %add3A_374, %mul3A_373 : i32
          %get3A_376 = arith.index_cast %add3A_375 : i32 to index
          %get3A_377 = tpu.vector_load %arg8[%get3A_376] {strides = array<i32>} : memref<65536xf32, #tpu.memory_space<vmem>>, vector<16xf32>,
          %mul3A_378 = arith.constant 16 : i32
          %mul3A_379 = arith.muli %scan3A_364, %mul3A_378 : i32
          %add3A_380 = arith.constant 8192 : i32
          %add3A_381 = arith.addi %add3A_380, %mul3A_379 : i32
          %get3A_382 = arith.index_cast %add3A_381 : i32 to index
          %get3A_383 = tpu.vector_load %arg8[%get3A_382] {strides = array<i32>} : memref<65536xf32, #tpu.memory_space<vmem>>, vector<16xf32>,
          %mul3A_384 = arith.constant 16 : i32
          %mul3A_385 = arith.muli %scan3A_364, %mul3A_384 : i32
          %add3A_386 = arith.constant 12288 : i32
          %add3A_387 = arith.addi %add3A_386, %mul3A_385 : i32
          %get3A_388 = arith.index_cast %add3A_387 : i32 to index
          %get3A_389 = tpu.vector_load %arg8[%get3A_388] {strides = array<i32>} : memref<65536xf32, #tpu.memory_space<vmem>>, vector<16xf32>,
          %mul3A_390 = arith.constant 16 : i32
          %mul3A_391 = arith.muli %scan3A_364, %mul3A_390 : i32
          %add3A_392 = arith.constant 16384 : i32
          %add3A_393 = arith.addi %add3A_392, %mul3A_391 : i32
          %get3A_394 = arith.index_cast %add3A_393 : i32 to index
          %get3A_395 = tpu.vector_load %arg8[%get3A_394] {strides = array<i32>} : memref<65536xf32, #tpu.memory_space<vmem>>, vector<16xf32>,
          %mul3A_396 = arith.constant 16 : i32
          %mul3A_397 = arith.muli %scan3A_364, %mul3A_396 : i32
          %add3A_398 = arith.constant 20480 : i32
          %add3A_399 = arith.addi %add3A_398, %mul3A_397 : i32
          %get3A_400 = arith.index_cast %add3A_399 : i32 to index
          %get3A_401 = tpu.vector_load %arg8[%get3A_400] {strides = array<i32>} : memref<65536xf32, #tpu.memory_space<vmem>>, vector<16xf32>,
          %mul3A_402 = arith.constant 16 : i32
          %mul3A_403 = arith.muli %scan3A_364, %mul3A_402 : i32
          %add3A_404 = arith.constant 24576 : i32
          %add3A_405 = arith.addi %add3A_404, %mul3A_403 : i32
          %get3A_406 = arith.index_cast %add3A_405 : i32 to index
          %get3A_407 = tpu.vector_load %arg8[%get3A_406] {strides = array<i32>} : memref<65536xf32, #tpu.memory_space<vmem>>, vector<16xf32>,
          %mul3A_408 = arith.constant 16 : i32
          %mul3A_409 = arith.muli %scan3A_364, %mul3A_408 : i32
          %add3A_410 = arith.constant 28672 : i32
          %add3A_411 = arith.addi %add3A_410, %mul3A_409 : i32
          %get3A_412 = arith.index_cast %add3A_411 : i32 to index
          %get3A_413 = tpu.vector_load %arg8[%get3A_412] {strides = array<i32>} : memref<65536xf32, #tpu.memory_space<vmem>>, vector<16xf32>,
          %mul3A_414 = arith.constant 16 : i32
          %mul3A_415 = arith.muli %scan3A_364, %mul3A_414 : i32
          %add3A_416 = arith.constant 32768 : i32
          %add3A_417 = arith.addi %add3A_416, %mul3A_415 : i32
          %get3A_418 = arith.index_cast %add3A_417 : i32 to index
          %get3A_419 = tpu.vector_load %arg8[%get3A_418] {strides = array<i32>} : memref<65536xf32, #tpu.memory_space<vmem>>, vector<16xf32>,
          %mul3A_420 = arith.constant 16 : i32
          %mul3A_421 = arith.muli %scan3A_364, %mul3A_420 : i32
          %add3A_422 = arith.constant 36864 : i32
          %add3A_423 = arith.addi %add3A_422, %mul3A_421 : i32
          %get3A_424 = arith.index_cast %add3A_423 : i32 to index
          %get3A_425 = tpu.vector_load %arg8[%get3A_424] {strides = array<i32>} : memref<65536xf32, #tpu.memory_space<vmem>>, vector<16xf32>,
          %mul3A_426 = arith.constant 16 : i32
          %mul3A_427 = arith.muli %scan3A_364, %mul3A_426 : i32
          %add3A_428 = arith.constant 40960 : i32
          %add3A_429 = arith.addi %add3A_428, %mul3A_427 : i32
          %get3A_430 = arith.index_cast %add3A_429 : i32 to index
          %get3A_431 = tpu.vector_load %arg8[%get3A_430] {strides = array<i32>} : memref<65536xf32, #tpu.memory_space<vmem>>, vector<16xf32>,
          %mul3A_432 = arith.constant 16 : i32
          %mul3A_433 = arith.muli %scan3A_364, %mul3A_432 : i32
          %add3A_434 = arith.constant 45056 : i32
          %add3A_435 = arith.addi %add3A_434, %mul3A_433 : i32
          %get3A_436 = arith.index_cast %add3A_435 : i32 to index
          %get3A_437 = tpu.vector_load %arg8[%get3A_436] {strides = array<i32>} : memref<65536xf32, #tpu.memory_space<vmem>>, vector<16xf32>,
          %mul3A_438 = arith.constant 16 : i32
          %mul3A_439 = arith.muli %scan3A_364, %mul3A_438 : i32
          %add3A_440 = arith.constant 49152 : i32
          %add3A_441 = arith.addi %add3A_440, %mul3A_439 : i32
          %get3A_442 = arith.index_cast %add3A_441 : i32 to index
          %get3A_443 = tpu.vector_load %arg8[%get3A_442] {strides = array<i32>} : memref<65536xf32, #tpu.memory_space<vmem>>, vector<16xf32>,
          %mul3A_444 = arith.constant 16 : i32
          %mul3A_445 = arith.muli %scan3A_364, %mul3A_444 : i32
          %add3A_446 = arith.constant 53248 : i32
          %add3A_447 = arith.addi %add3A_446, %mul3A_445 : i32
          %get3A_448 = arith.index_cast %add3A_447 : i32 to index
          %get3A_449 = tpu.vector_load %arg8[%get3A_448] {strides = array<i32>} : memref<65536xf32, #tpu.memory_space<vmem>>, vector<16xf32>,
          %mul3A_450 = arith.constant 16 : i32
          %mul3A_451 = arith.muli %scan3A_364, %mul3A_450 : i32
          %add3A_452 = arith.constant 57344 : i32
          %add3A_453 = arith.addi %add3A_452, %mul3A_451 : i32
          %get3A_454 = arith.index_cast %add3A_453 : i32 to index
          %get3A_455 = tpu.vector_load %arg8[%get3A_454] {strides = array<i32>} : memref<65536xf32, #tpu.memory_space<vmem>>, vector<16xf32>,
          %mul3A_456 = arith.constant 16 : i32
          %mul3A_457 = arith.muli %scan3A_364, %mul3A_456 : i32
          %add3A_458 = arith.constant 61440 : i32
          %add3A_459 = arith.addi %add3A_458, %mul3A_457 : i32
          %get3A_460 = arith.index_cast %add3A_459 : i32 to index
          %get3A_461 = tpu.vector_load %arg8[%get3A_460] {strides = array<i32>} : memref<65536xf32, #tpu.memory_space<vmem>>, vector<16xf32>,
          %add3A_462 = arith.addf %get3A_371, %get3A_377 : vector<16xf32>
          %add3A_463 = arith.addf %get3A_383, %get3A_389 : vector<16xf32>
          %add3A_464 = arith.addf %get3A_395, %get3A_401 : vector<16xf32>
          %add3A_465 = arith.addf %get3A_407, %get3A_413 : vector<16xf32>
          %add3A_466 = arith.addf %get3A_419, %get3A_425 : vector<16xf32>
          %add3A_467 = arith.addf %get3A_431, %get3A_437 : vector<16xf32>
          %add3A_468 = arith.addf %get3A_443, %get3A_449 : vector<16xf32>
          %add3A_469 = arith.addf %get3A_455, %get3A_461 : vector<16xf32>
          %add3A_470 = arith.addf %add3A_462, %add3A_463 : vector<16xf32>
          %add3A_471 = arith.addf %add3A_464, %add3A_465 : vector<16xf32>
          %add3A_472 = arith.addf %add3A_466, %add3A_467 : vector<16xf32>
          %add3A_473 = arith.addf %add3A_468, %add3A_469 : vector<16xf32>
          %add3A_474 = arith.addf %add3A_470, %add3A_471 : vector<16xf32>
          %add3A_475 = arith.addf %add3A_472, %add3A_473 : vector<16xf32>
          %add3A_476 = arith.addf %add3A_474, %add3A_475 : vector<16xf32>
          %mul3A_477 = arith.constant 16 : i32
          %mul3A_478 = arith.muli %scan3A_364, %mul3A_477 : i32
          %get3A_479 = arith.index_cast %mul3A_478 : i32 to index
          %get3A_480 = tpu.vector_load %arg9[%get3A_479] {strides = array<i32>} : memref<4096xf32, #tpu.memory_space<vmem>>, vector<16xf32>,
          %sub3A_481 = arith.subf %add3A_476, %get3A_480 : vector<16xf32>
          %mul3A_482 = arith.constant 16 : i32
          %mul3A_483 = arith.muli %scan3A_364, %mul3A_482 : i32
          %swap3A = arith.index_cast %select_n3A_344 : i32 to index
          %swap3A_484 = arith.index_cast %mul3A_483 : i32 to index
          %swap3A_485 = tpu.vector_load %arg10[%swap3A, %swap3A_484] {strides = array<i32>} : memref<2x4096xf32, #tpu.memory_space<vmem>>, vector<16xf32>,
          tpu.vector_store %arg10[%swap3A, %swap3A_484], %sub3A_481 {strides = array<i32>} : memref<2x4096xf32, #tpu.memory_space<vmem>>, vector<16xf32>,
          %mul3A_486 = arith.constant 16 : i32
          %mul3A_487 = arith.muli %scan3A_364, %mul3A_486 : i32
          %swap3A_488 = arith.index_cast %mul3A_487 : i32 to index
          %swap3A_489 = tpu.vector_load %arg9[%swap3A_488] {strides = array<i32>} : memref<4096xf32, #tpu.memory_space<vmem>>, vector<16xf32>,
          tpu.vector_store %arg9[%swap3A_488], %add3A_476 {strides = array<i32>} : memref<4096xf32, #tpu.memory_space<vmem>>, vector<16xf32>,
          %scan3A_490 = arith.constant 0 : i32
          %scan3A_491 = arith.constant 1 : i32
          %scan3A_492 = arith.addi %scan3A_364, %scan3A_491 : i32
          %mul3A_493 = arith.constant 16 : i32
          %mul3A_494 = arith.muli %scan3A_492, %mul3A_493 : i32
          %add3A_495 = arith.constant 0 : i32
          %add3A_496 = arith.addi %add3A_495, %mul3A_494 : i32
          %get3A_497 = arith.index_cast %add3A_496 : i32 to index
          %get3A_498 = tpu.vector_load %arg8[%get3A_497] {strides = array<i32>} : memref<65536xf32, #tpu.memory_space<vmem>>, vector<16xf32>,
          %mul3A_499 = arith.constant 16 : i32
          %mul3A_500 = arith.muli %scan3A_492, %mul3A_499 : i32
          %add3A_501 = arith.constant 4096 : i32
          %add3A_502 = arith.addi %add3A_501, %mul3A_500 : i32
          %get3A_503 = arith.index_cast %add3A_502 : i32 to index
          %get3A_504 = tpu.vector_load %arg8[%get3A_503] {strides = array<i32>} : memref<65536xf32, #tpu.memory_space<vmem>>, vector<16xf32>,
          %mul3A_505 = arith.constant 16 : i32
          %mul3A_506 = arith.muli %scan3A_492, %mul3A_505 : i32
          %add3A_507 = arith.constant 8192 : i32
          %add3A_508 = arith.addi %add3A_507, %mul3A_506 : i32
          %get3A_509 = arith.index_cast %add3A_508 : i32 to index
          %get3A_510 = tpu.vector_load %arg8[%get3A_509] {strides = array<i32>} : memref<65536xf32, #tpu.memory_space<vmem>>, vector<16xf32>,
          %mul3A_511 = arith.constant 16 : i32
          %mul3A_512 = arith.muli %scan3A_492, %mul3A_511 : i32
          %add3A_513 = arith.constant 12288 : i32
          %add3A_514 = arith.addi %add3A_513, %mul3A_512 : i32
          %get3A_515 = arith.index_cast %add3A_514 : i32 to index
          %get3A_516 = tpu.vector_load %arg8[%get3A_515] {strides = array<i32>} : memref<65536xf32, #tpu.memory_space<vmem>>, vector<16xf32>,
          %mul3A_517 = arith.constant 16 : i32
          %mul3A_518 = arith.muli %scan3A_492, %mul3A_517 : i32
          %add3A_519 = arith.constant 16384 : i32
          %add3A_520 = arith.addi %add3A_519, %mul3A_518 : i32
          %get3A_521 = arith.index_cast %add3A_520 : i32 to index
          %get3A_522 = tpu.vector_load %arg8[%get3A_521] {strides = array<i32>} : memref<65536xf32, #tpu.memory_space<vmem>>, vector<16xf32>,
          %mul3A_523 = arith.constant 16 : i32
          %mul3A_524 = arith.muli %scan3A_492, %mul3A_523 : i32
          %add3A_525 = arith.constant 20480 : i32
          %add3A_526 = arith.addi %add3A_525, %mul3A_524 : i32
          %get3A_527 = arith.index_cast %add3A_526 : i32 to index
          %get3A_528 = tpu.vector_load %arg8[%get3A_527] {strides = array<i32>} : memref<65536xf32, #tpu.memory_space<vmem>>, vector<16xf32>,
          %mul3A_529 = arith.constant 16 : i32
          %mul3A_530 = arith.muli %scan3A_492, %mul3A_529 : i32
          %add3A_531 = arith.constant 24576 : i32
          %add3A_532 = arith.addi %add3A_531, %mul3A_530 : i32
          %get3A_533 = arith.index_cast %add3A_532 : i32 to index
          %get3A_534 = tpu.vector_load %arg8[%get3A_533] {strides = array<i32>} : memref<65536xf32, #tpu.memory_space<vmem>>, vector<16xf32>,
          %mul3A_535 = arith.constant 16 : i32
          %mul3A_536 = arith.muli %scan3A_492, %mul3A_535 : i32
          %add3A_537 = arith.constant 28672 : i32
          %add3A_538 = arith.addi %add3A_537, %mul3A_536 : i32
          %get3A_539 = arith.index_cast %add3A_538 : i32 to index
          %get3A_540 = tpu.vector_load %arg8[%get3A_539] {strides = array<i32>} : memref<65536xf32, #tpu.memory_space<vmem>>, vector<16xf32>,
          %mul3A_541 = arith.constant 16 : i32
          %mul3A_542 = arith.muli %scan3A_492, %mul3A_541 : i32
          %add3A_543 = arith.constant 32768 : i32
          %add3A_544 = arith.addi %add3A_543, %mul3A_542 : i32
          %get3A_545 = arith.index_cast %add3A_544 : i32 to index
          %get3A_546 = tpu.vector_load %arg8[%get3A_545] {strides = array<i32>} : memref<65536xf32, #tpu.memory_space<vmem>>, vector<16xf32>,
          %mul3A_547 = arith.constant 16 : i32
          %mul3A_548 = arith.muli %scan3A_492, %mul3A_547 : i32
          %add3A_549 = arith.constant 36864 : i32
          %add3A_550 = arith.addi %add3A_549, %mul3A_548 : i32
          %get3A_551 = arith.index_cast %add3A_550 : i32 to index
          %get3A_552 = tpu.vector_load %arg8[%get3A_551] {strides = array<i32>} : memref<65536xf32, #tpu.memory_space<vmem>>, vector<16xf32>,
          %mul3A_553 = arith.constant 16 : i32
          %mul3A_554 = arith.muli %scan3A_492, %mul3A_553 : i32
          %add3A_555 = arith.constant 40960 : i32
          %add3A_556 = arith.addi %add3A_555, %mul3A_554 : i32
          %get3A_557 = arith.index_cast %add3A_556 : i32 to index
          %get3A_558 = tpu.vector_load %arg8[%get3A_557] {strides = array<i32>} : memref<65536xf32, #tpu.memory_space<vmem>>, vector<16xf32>,
          %mul3A_559 = arith.constant 16 : i32
          %mul3A_560 = arith.muli %scan3A_492, %mul3A_559 : i32
          %add3A_561 = arith.constant 45056 : i32
          %add3A_562 = arith.addi %add3A_561, %mul3A_560 : i32
          %get3A_563 = arith.index_cast %add3A_562 : i32 to index
          %get3A_564 = tpu.vector_load %arg8[%get3A_563] {strides = array<i32>} : memref<65536xf32, #tpu.memory_space<vmem>>, vector<16xf32>,
          %mul3A_565 = arith.constant 16 : i32
          %mul3A_566 = arith.muli %scan3A_492, %mul3A_565 : i32
          %add3A_567 = arith.constant 49152 : i32
          %add3A_568 = arith.addi %add3A_567, %mul3A_566 : i32
          %get3A_569 = arith.index_cast %add3A_568 : i32 to index
          %get3A_570 = tpu.vector_load %arg8[%get3A_569] {strides = array<i32>} : memref<65536xf32, #tpu.memory_space<vmem>>, vector<16xf32>,
          %mul3A_571 = arith.constant 16 : i32
          %mul3A_572 = arith.muli %scan3A_492, %mul3A_571 : i32
          %add3A_573 = arith.constant 53248 : i32
          %add3A_574 = arith.addi %add3A_573, %mul3A_572 : i32
          %get3A_575 = arith.index_cast %add3A_574 : i32 to index
          %get3A_576 = tpu.vector_load %arg8[%get3A_575] {strides = array<i32>} : memref<65536xf32, #tpu.memory_space<vmem>>, vector<16xf32>,
          %mul3A_577 = arith.constant 16 : i32
          %mul3A_578 = arith.muli %scan3A_492, %mul3A_577 : i32
          %add3A_579 = arith.constant 57344 : i32
          %add3A_580 = arith.addi %add3A_579, %mul3A_578 : i32
          %get3A_581 = arith.index_cast %add3A_580 : i32 to index
          %get3A_582 = tpu.vector_load %arg8[%get3A_581] {strides = array<i32>} : memref<65536xf32, #tpu.memory_space<vmem>>, vector<16xf32>,
          %mul3A_583 = arith.constant 16 : i32
          %mul3A_584 = arith.muli %scan3A_492, %mul3A_583 : i32
          %add3A_585 = arith.constant 61440 : i32
          %add3A_586 = arith.addi %add3A_585, %mul3A_584 : i32
          %get3A_587 = arith.index_cast %add3A_586 : i32 to index
          %get3A_588 = tpu.vector_load %arg8[%get3A_587] {strides = array<i32>} : memref<65536xf32, #tpu.memory_space<vmem>>, vector<16xf32>,
          %add3A_589 = arith.addf %get3A_498, %get3A_504 : vector<16xf32>
          %add3A_590 = arith.addf %get3A_510, %get3A_516 : vector<16xf32>
          %add3A_591 = arith.addf %get3A_522, %get3A_528 : vector<16xf32>
          %add3A_592 = arith.addf %get3A_534, %get3A_540 : vector<16xf32>
          %add3A_593 = arith.addf %get3A_546, %get3A_552 : vector<16xf32>
          %add3A_594 = arith.addf %get3A_558, %get3A_564 : vector<16xf32>
          %add3A_595 = arith.addf %get3A_570, %get3A_576 : vector<16xf32>
          %add3A_596 = arith.addf %get3A_582, %get3A_588 : vector<16xf32>
          %add3A_597 = arith.addf %add3A_589, %add3A_590 : vector<16xf32>
          %add3A_598 = arith.addf %add3A_591, %add3A_592 : vector<16xf32>
          %add3A_599 = arith.addf %add3A_593, %add3A_594 : vector<16xf32>
          %add3A_600 = arith.addf %add3A_595, %add3A_596 : vector<16xf32>
          %add3A_601 = arith.addf %add3A_597, %add3A_598 : vector<16xf32>
          %add3A_602 = arith.addf %add3A_599, %add3A_600 : vector<16xf32>
          %add3A_603 = arith.addf %add3A_601, %add3A_602 : vector<16xf32>
          %mul3A_604 = arith.constant 16 : i32
          %mul3A_605 = arith.muli %scan3A_492, %mul3A_604 : i32
          %get3A_606 = arith.index_cast %mul3A_605 : i32 to index
          %get3A_607 = tpu.vector_load %arg9[%get3A_606] {strides = array<i32>} : memref<4096xf32, #tpu.memory_space<vmem>>, vector<16xf32>,
          %sub3A_608 = arith.subf %add3A_603, %get3A_607 : vector<16xf32>
          %mul3A_609 = arith.constant 16 : i32
          %mul3A_610 = arith.muli %scan3A_492, %mul3A_609 : i32
          %swap3A_611 = arith.index_cast %select_n3A_344 : i32 to index
          %swap3A_612 = arith.index_cast %mul3A_610 : i32 to index
          %swap3A_613 = tpu.vector_load %arg10[%swap3A_611, %swap3A_612] {strides = array<i32>} : memref<2x4096xf32, #tpu.memory_space<vmem>>, vector<16xf32>,
          tpu.vector_store %arg10[%swap3A_611, %swap3A_612], %sub3A_608 {strides = array<i32>} : memref<2x4096xf32, #tpu.memory_space<vmem>>, vector<16xf32>,
          %mul3A_614 = arith.constant 16 : i32
          %mul3A_615 = arith.muli %scan3A_492, %mul3A_614 : i32
          %swap3A_616 = arith.index_cast %mul3A_615 : i32 to index
          %swap3A_617 = tpu.vector_load %arg9[%swap3A_616] {strides = array<i32>} : memref<4096xf32, #tpu.memory_space<vmem>>, vector<16xf32>,
          tpu.vector_store %arg9[%swap3A_616], %add3A_603 {strides = array<i32>} : memref<4096xf32, #tpu.memory_space<vmem>>, vector<16xf32>,
          %scan3A_618 = arith.constant 0 : i32
          scf.yield %scan3A_618 : i32
        }
        %scan3A_355 = arith.constant 256 : i32
        %dma_start3A_356 = arith.constant 0 : i32
        %dma_start3A_357 = tpu.memref_slice %arg10[%select_n3A_344, %dma_start3A_356] : memref<2x4096xf32, #tpu.memory_space<vmem>> -> memref<1x4096xf32, #tpu.memory_space<vmem>>
        %dma_start3A_358 = tpu.memref_squeeze %dma_start3A_357 : memref<1x4096xf32, #tpu.memory_space<vmem>> -> memref<4096xf32, #tpu.memory_space<vmem>>
        %dma_start3A_359 = tpu.memref_slice %arg4[%mul3A_328] : memref<2097152xf32, #tpu.memory_space<hbm>> -> memref<4096xf32, #tpu.memory_space<hbm>>
        %dma_start3A_360 = tpu.memref_slice %arg4[%mul3A_328] : memref<2097152xf32, #tpu.memory_space<hbm>> -> memref<4096xf32, #tpu.memory_space<hbm>>
        %dma_start3A_361 = arith.constant 0 : i32
        %dma_start3A_362 = tpu.memref_slice %arg10[%select_n3A_344, %dma_start3A_361] : memref<2x4096xf32, #tpu.memory_space<vmem>> -> memref<1x4096xf32, #tpu.memory_space<vmem>>
        %dma_start3A_363 = tpu.memref_squeeze %dma_start3A_362 : memref<1x4096xf32, #tpu.memory_space<vmem>> -> memref<4096xf32, #tpu.memory_space<vmem>>
        tpu.enqueue_dma source(%dma_start3A_363 : memref<4096xf32, #tpu.memory_space<vmem>>) target(%dma_start3A_360 : memref<4096xf32, #tpu.memory_space<hbm>>) target_semaphore(%arg12 : memref<!tpu.dma_semaphore, #tpu.memory_space<semaphore_mem>>)
      } else {
      }
      %scan3A_296 = arith.constant 0 : i32
      scf.yield %scan3A_296 : i32
    }
    %scan3A_74 = arith.constant 128 : i32
    %dma_wait3A = arith.constant 0 : i32
    %dma_wait3A_75 = arith.constant 0 : i32
    %dma_wait3A_76 = tpu.memref_slice %arg10[%dma_wait3A, %dma_wait3A_75] : memref<2x4096xf32, #tpu.memory_space<vmem>> -> memref<1x4096xf32, #tpu.memory_space<vmem>>
    %dma_wait3A_77 = tpu.memref_squeeze %dma_wait3A_76 : memref<1x4096xf32, #tpu.memory_space<vmem>> -> memref<4096xf32, #tpu.memory_space<vmem>>
    %dma_wait3A_78 = arith.constant 0 : i32
    %dma_wait3A_79 = tpu.memref_slice %arg4[%dma_wait3A_78] : memref<2097152xf32, #tpu.memory_space<hbm>> -> memref<4096xf32, #tpu.memory_space<hbm>>
    %dma_wait3A_80 = arith.constant 0 : i32
    %dma_wait3A_81 = tpu.memref_slice %arg10[%dma_wait3A, %dma_wait3A_80] : memref<2x4096xf32, #tpu.memory_space<vmem>> -> memref<1x4096xf32, #tpu.memory_space<vmem>>
    %dma_wait3A_82 = tpu.memref_squeeze %dma_wait3A_81 : memref<1x4096xf32, #tpu.memory_space<vmem>> -> memref<4096xf32, #tpu.memory_space<vmem>>
    %dma_wait3A_83 = arith.constant 0 : i32
    %dma_wait3A_84 = tpu.memref_slice %arg4[%dma_wait3A_83] : memref<2097152xf32, #tpu.memory_space<hbm>> -> memref<4096xf32, #tpu.memory_space<hbm>>
    tpu.wait_dma2 semaphore(%arg12 : memref<!tpu.dma_semaphore, #tpu.memory_space<semaphore_mem>>) src(%dma_wait3A_84 : memref<4096xf32, #tpu.memory_space<hbm>>) dst(%dma_wait3A_82 : memref<4096xf32, #tpu.memory_space<vmem>>)
    %dma_wait3A_85 = arith.constant 0 : i32
    %dma_wait3A_86 = arith.constant 0 : i32
    %dma_wait3A_87 = tpu.memref_slice %arg10[%dma_wait3A_85, %dma_wait3A_86] : memref<2x4096xf32, #tpu.memory_space<vmem>> -> memref<1x4096xf32, #tpu.memory_space<vmem>>
    %dma_wait3A_88 = tpu.memref_squeeze %dma_wait3A_87 : memref<1x4096xf32, #tpu.memory_space<vmem>> -> memref<4096xf32, #tpu.memory_space<vmem>>
    %dma_wait3A_89 = arith.constant 0 : i32
    %dma_wait3A_90 = tpu.memref_slice %arg4[%dma_wait3A_89] : memref<2097152xf32, #tpu.memory_space<hbm>> -> memref<4096xf32, #tpu.memory_space<hbm>>
    %dma_wait3A_91 = arith.constant 0 : i32
    %dma_wait3A_92 = tpu.memref_slice %arg10[%dma_wait3A_85, %dma_wait3A_91] : memref<2x4096xf32, #tpu.memory_space<vmem>> -> memref<1x4096xf32, #tpu.memory_space<vmem>>
    %dma_wait3A_93 = tpu.memref_squeeze %dma_wait3A_92 : memref<1x4096xf32, #tpu.memory_space<vmem>> -> memref<4096xf32, #tpu.memory_space<vmem>>
    %dma_wait3A_94 = arith.constant 0 : i32
    %dma_wait3A_95 = tpu.memref_slice %arg4[%dma_wait3A_94] : memref<2097152xf32, #tpu.memory_space<hbm>> -> memref<4096xf32, #tpu.memory_space<hbm>>
    tpu.wait_dma2 semaphore(%arg12 : memref<!tpu.dma_semaphore, #tpu.memory_space<semaphore_mem>>) src(%dma_wait3A_95 : memref<4096xf32, #tpu.memory_space<hbm>>) dst(%dma_wait3A_93 : memref<4096xf32, #tpu.memory_space<vmem>>)
    %eq3A_96 = arith.constant 0 : i32
    %eq3A_97 = arith.cmpi eq, %select_n3A_30, %eq3A_96 : i32
    %convert_element_type3A = arith.extui %eq3A_97 : i1 to i32
    %cond3A = arith.constant 0 : i32
    %cond3A_98 = arith.cmpi ne, %convert_element_type3A, %cond3A : i32
    scf.if %cond3A_98 {
      %get3A = arith.constant 0 : index
      %get3A_99 = tpu.vector_load %arg6[%get3A] {strides = array<i32>} : memref<32768xi32, #tpu.memory_space<vmem>>, vector<16xi32>,
      %scan3A_100 = arith.constant 0 : i32
      %scan3A_101 = arith.constant 2044 : i32
      %scan3A_102 = arith.addi %scan3A_100, %scan3A_101 : i32
      %scan3A_103 = arith.constant 4 : i32
      %scan3A_104 = scf.for %scan3A_162 = %scan3A_100 to %scan3A_102 step %scan3A_103 iter_args(%scan3A_163 = %get3A_99) -> (vector<16xi32>)  : i32 {
        %add3A_164 = arith.constant 1 : i32
        %add3A_165 = arith.addi %scan3A_162, %add3A_164 : i32
        %mul3A_166 = arith.constant 16 : i32
        %mul3A_167 = arith.muli %add3A_165, %mul3A_166 : i32
        %get3A_168 = arith.index_cast %mul3A_167 : i32 to index
        %get3A_169 = tpu.vector_load %arg6[%get3A_168] {strides = array<i32>} : memref<32768xi32, #tpu.memory_space<vmem>>, vector<16xi32>,
        %and3A_170 = arith.constant 65535 : i32
        %and3A_171 = vector.broadcast %and3A_170 : i32 to vector<16xi32>
        %and3A_172 = arith.andi %scan3A_163, %and3A_171 : vector<16xi32>
        %shift_right_logical3A_173 = arith.constant 16 : i32
        %shift_right_logical3A_174 = vector.broadcast %shift_right_logical3A_173 : i32 to vector<16xi32>
        %shift_right_logical3A_175 = arith.shrui %scan3A_163, %shift_right_logical3A_174 : vector<16xi32>
        tpu.vector_store_idx %arg8[%and3A_172], %broadcast_in_dim3A_33 {add = true} : memref<65536xf32, #tpu.memory_space<vmem>>[vector<16xi32>], vector<16xf32>,
        tpu.vector_store_idx %arg8[%shift_right_logical3A_175], %broadcast_in_dim3A_33 {add = true} : memref<65536xf32, #tpu.memory_space<vmem>>[vector<16xi32>], vector<16xf32>,
        %scan3A_176 = arith.constant 1 : i32
        %scan3A_177 = arith.addi %scan3A_162, %scan3A_176 : i32
        %add3A_178 = arith.constant 1 : i32
        %add3A_179 = arith.addi %scan3A_177, %add3A_178 : i32
        %mul3A_180 = arith.constant 16 : i32
        %mul3A_181 = arith.muli %add3A_179, %mul3A_180 : i32
        %get3A_182 = arith.index_cast %mul3A_181 : i32 to index
        %get3A_183 = tpu.vector_load %arg6[%get3A_182] {strides = array<i32>} : memref<32768xi32, #tpu.memory_space<vmem>>, vector<16xi32>,
        %and3A_184 = arith.constant 65535 : i32
        %and3A_185 = vector.broadcast %and3A_184 : i32 to vector<16xi32>
        %and3A_186 = arith.andi %get3A_169, %and3A_185 : vector<16xi32>
        %shift_right_logical3A_187 = arith.constant 16 : i32
        %shift_right_logical3A_188 = vector.broadcast %shift_right_logical3A_187 : i32 to vector<16xi32>
        %shift_right_logical3A_189 = arith.shrui %get3A_169, %shift_right_logical3A_188 : vector<16xi32>
        tpu.vector_store_idx %arg8[%and3A_186], %broadcast_in_dim3A_33 {add = true} : memref<65536xf32, #tpu.memory_space<vmem>>[vector<16xi32>], vector<16xf32>,
        tpu.vector_store_idx %arg8[%shift_right_logical3A_189], %broadcast_in_dim3A_33 {add = true} : memref<65536xf32, #tpu.memory_space<vmem>>[vector<16xi32>], vector<16xf32>,
        %scan3A_190 = arith.constant 2 : i32
        %scan3A_191 = arith.addi %scan3A_162, %scan3A_190 : i32
        %add3A_192 = arith.constant 1 : i32
        %add3A_193 = arith.addi %scan3A_191, %add3A_192 : i32
        %mul3A_194 = arith.constant 16 : i32
        %mul3A_195 = arith.muli %add3A_193, %mul3A_194 : i32
        %get3A_196 = arith.index_cast %mul3A_195 : i32 to index
        %get3A_197 = tpu.vector_load %arg6[%get3A_196] {strides = array<i32>} : memref<32768xi32, #tpu.memory_space<vmem>>, vector<16xi32>,
        %and3A_198 = arith.constant 65535 : i32
        %and3A_199 = vector.broadcast %and3A_198 : i32 to vector<16xi32>
        %and3A_200 = arith.andi %get3A_183, %and3A_199 : vector<16xi32>
        %shift_right_logical3A_201 = arith.constant 16 : i32
        %shift_right_logical3A_202 = vector.broadcast %shift_right_logical3A_201 : i32 to vector<16xi32>
        %shift_right_logical3A_203 = arith.shrui %get3A_183, %shift_right_logical3A_202 : vector<16xi32>
        tpu.vector_store_idx %arg8[%and3A_200], %broadcast_in_dim3A_33 {add = true} : memref<65536xf32, #tpu.memory_space<vmem>>[vector<16xi32>], vector<16xf32>,
        tpu.vector_store_idx %arg8[%shift_right_logical3A_203], %broadcast_in_dim3A_33 {add = true} : memref<65536xf32, #tpu.memory_space<vmem>>[vector<16xi32>], vector<16xf32>,
        %scan3A_204 = arith.constant 3 : i32
        %scan3A_205 = arith.addi %scan3A_162, %scan3A_204 : i32
        %add3A_206 = arith.constant 1 : i32
        %add3A_207 = arith.addi %scan3A_205, %add3A_206 : i32
        %mul3A_208 = arith.constant 16 : i32
        %mul3A_209 = arith.muli %add3A_207, %mul3A_208 : i32
        %get3A_210 = arith.index_cast %mul3A_209 : i32 to index
        %get3A_211 = tpu.vector_load %arg6[%get3A_210] {strides = array<i32>} : memref<32768xi32, #tpu.memory_space<vmem>>, vector<16xi32>,
        %and3A_212 = arith.constant 65535 : i32
        %and3A_213 = vector.broadcast %and3A_212 : i32 to vector<16xi32>
        %and3A_214 = arith.andi %get3A_197, %and3A_213 : vector<16xi32>
        %shift_right_logical3A_215 = arith.constant 16 : i32
        %shift_right_logical3A_216 = vector.broadcast %shift_right_logical3A_215 : i32 to vector<16xi32>
        %shift_right_logical3A_217 = arith.shrui %get3A_197, %shift_right_logical3A_216 : vector<16xi32>
        tpu.vector_store_idx %arg8[%and3A_214], %broadcast_in_dim3A_33 {add = true} : memref<65536xf32, #tpu.memory_space<vmem>>[vector<16xi32>], vector<16xf32>,
        tpu.vector_store_idx %arg8[%shift_right_logical3A_217], %broadcast_in_dim3A_33 {add = true} : memref<65536xf32, #tpu.memory_space<vmem>>[vector<16xi32>], vector<16xf32>,
        scf.yield %get3A_211 : vector<16xi32>
      }
      %scan3A_105 = arith.constant 2044 : i32
      %scan3A_106 = arith.addi %scan3A_100, %scan3A_105 : i32
      %add3A_107 = arith.constant 1 : i32
      %add3A_108 = arith.addi %scan3A_106, %add3A_107 : i32
      %mul3A_109 = arith.constant 16 : i32
      %mul3A_110 = arith.muli %add3A_108, %mul3A_109 : i32
      %get3A_111 = arith.index_cast %mul3A_110 : i32 to index
      %get3A_112 = tpu.vector_load %arg6[%get3A_111] {strides = array<i32>} : memref<32768xi32, #tpu.memory_space<vmem>>, vector<16xi32>,
      %and3A_113 = arith.constant 65535 : i32
      %and3A_114 = vector.broadcast %and3A_113 : i32 to vector<16xi32>
      %and3A_115 = arith.andi %scan3A_104, %and3A_114 : vector<16xi32>
      %shift_right_logical3A = arith.constant 16 : i32
      %shift_right_logical3A_116 = vector.broadcast %shift_right_logical3A : i32 to vector<16xi32>
      %shift_right_logical3A_117 = arith.shrui %scan3A_104, %shift_right_logical3A_116 : vector<16xi32>
      tpu.vector_store_idx %arg8[%and3A_115], %broadcast_in_dim3A_33 {add = true} : memref<65536xf32, #tpu.memory_space<vmem>>[vector<16xi32>], vector<16xf32>,
      tpu.vector_store_idx %arg8[%shift_right_logical3A_117], %broadcast_in_dim3A_33 {add = true} : memref<65536xf32, #tpu.memory_space<vmem>>[vector<16xi32>], vector<16xf32>,
      %scan3A_118 = arith.constant 2045 : i32
      %scan3A_119 = arith.addi %scan3A_100, %scan3A_118 : i32
      %add3A_120 = arith.constant 1 : i32
      %add3A_121 = arith.addi %scan3A_119, %add3A_120 : i32
      %mul3A_122 = arith.constant 16 : i32
      %mul3A_123 = arith.muli %add3A_121, %mul3A_122 : i32
      %get3A_124 = arith.index_cast %mul3A_123 : i32 to index
      %get3A_125 = tpu.vector_load %arg6[%get3A_124] {strides = array<i32>} : memref<32768xi32, #tpu.memory_space<vmem>>, vector<16xi32>,
      %and3A_126 = arith.constant 65535 : i32
      %and3A_127 = vector.broadcast %and3A_126 : i32 to vector<16xi32>
      %and3A_128 = arith.andi %get3A_112, %and3A_127 : vector<16xi32>
      %shift_right_logical3A_129 = arith.constant 16 : i32
      %shift_right_logical3A_130 = vector.broadcast %shift_right_logical3A_129 : i32 to vector<16xi32>
      %shift_right_logical3A_131 = arith.shrui %get3A_112, %shift_right_logical3A_130 : vector<16xi32>
      tpu.vector_store_idx %arg8[%and3A_128], %broadcast_in_dim3A_33 {add = true} : memref<65536xf32, #tpu.memory_space<vmem>>[vector<16xi32>], vector<16xf32>,
      tpu.vector_store_idx %arg8[%shift_right_logical3A_131], %broadcast_in_dim3A_33 {add = true} : memref<65536xf32, #tpu.memory_space<vmem>>[vector<16xi32>], vector<16xf32>,
      %scan3A_132 = arith.constant 2046 : i32
      %scan3A_133 = arith.addi %scan3A_100, %scan3A_132 : i32
      %add3A_134 = arith.constant 1 : i32
      %add3A_135 = arith.addi %scan3A_133, %add3A_134 : i32
      %mul3A_136 = arith.constant 16 : i32
      %mul3A_137 = arith.muli %add3A_135, %mul3A_136 : i32
      %get3A_138 = arith.index_cast %mul3A_137 : i32 to index
      %get3A_139 = tpu.vector_load %arg6[%get3A_138] {strides = array<i32>} : memref<32768xi32, #tpu.memory_space<vmem>>, vector<16xi32>,
      %and3A_140 = arith.constant 65535 : i32
      %and3A_141 = vector.broadcast %and3A_140 : i32 to vector<16xi32>
      %and3A_142 = arith.andi %get3A_125, %and3A_141 : vector<16xi32>
      %shift_right_logical3A_143 = arith.constant 16 : i32
      %shift_right_logical3A_144 = vector.broadcast %shift_right_logical3A_143 : i32 to vector<16xi32>
      %shift_right_logical3A_145 = arith.shrui %get3A_125, %shift_right_logical3A_144 : vector<16xi32>
      tpu.vector_store_idx %arg8[%and3A_142], %broadcast_in_dim3A_33 {add = true} : memref<65536xf32, #tpu.memory_space<vmem>>[vector<16xi32>], vector<16xf32>,
      tpu.vector_store_idx %arg8[%shift_right_logical3A_145], %broadcast_in_dim3A_33 {add = true} : memref<65536xf32, #tpu.memory_space<vmem>>[vector<16xi32>], vector<16xf32>,
      %scan3A_146 = arith.constant 2047 : i32
      %and3A_147 = arith.constant 65535 : i32
      %and3A_148 = vector.broadcast %and3A_147 : i32 to vector<16xi32>
      %and3A_149 = arith.andi %get3A_139, %and3A_148 : vector<16xi32>
      %shift_right_logical3A_150 = arith.constant 16 : i32
      %shift_right_logical3A_151 = vector.broadcast %shift_right_logical3A_150 : i32 to vector<16xi32>
      %shift_right_logical3A_152 = arith.shrui %get3A_139, %shift_right_logical3A_151 : vector<16xi32>
      tpu.vector_store_idx %arg8[%and3A_149], %broadcast_in_dim3A_33 {add = true} : memref<65536xf32, #tpu.memory_space<vmem>>[vector<16xi32>], vector<16xf32>,
      tpu.vector_store_idx %arg8[%shift_right_logical3A_152], %broadcast_in_dim3A_33 {add = true} : memref<65536xf32, #tpu.memory_space<vmem>>[vector<16xi32>], vector<16xf32>,
      %scan3A_153 = arith.constant 0 : i32
      %scan3A_154 = arith.constant 0 : i32
      %scan3A_155 = arith.constant 256 : i32
      %scan3A_156 = arith.addi %scan3A_154, %scan3A_155 : i32
      %scan3A_157 = arith.constant 2 : i32
      %scan3A_158 = scf.for %scan3A_162 = %scan3A_154 to %scan3A_156 step %scan3A_157 iter_args(%scan3A_163 = %scan3A_153) -> (i32)  : i32 {
        %mul3A_164 = arith.constant 16 : i32
        %mul3A_165 = arith.muli %scan3A_162, %mul3A_164 : i32
        %add3A_166 = arith.constant 0 : i32
        %add3A_167 = arith.addi %add3A_166, %mul3A_165 : i32
        %get3A_168 = arith.index_cast %add3A_167 : i32 to index
        %get3A_169 = tpu.vector_load %arg8[%get3A_168] {strides = array<i32>} : memref<65536xf32, #tpu.memory_space<vmem>>, vector<16xf32>,
        %mul3A_170 = arith.constant 16 : i32
        %mul3A_171 = arith.muli %scan3A_162, %mul3A_170 : i32
        %add3A_172 = arith.constant 4096 : i32
        %add3A_173 = arith.addi %add3A_172, %mul3A_171 : i32
        %get3A_174 = arith.index_cast %add3A_173 : i32 to index
        %get3A_175 = tpu.vector_load %arg8[%get3A_174] {strides = array<i32>} : memref<65536xf32, #tpu.memory_space<vmem>>, vector<16xf32>,
        %mul3A_176 = arith.constant 16 : i32
        %mul3A_177 = arith.muli %scan3A_162, %mul3A_176 : i32
        %add3A_178 = arith.constant 8192 : i32
        %add3A_179 = arith.addi %add3A_178, %mul3A_177 : i32
        %get3A_180 = arith.index_cast %add3A_179 : i32 to index
        %get3A_181 = tpu.vector_load %arg8[%get3A_180] {strides = array<i32>} : memref<65536xf32, #tpu.memory_space<vmem>>, vector<16xf32>,
        %mul3A_182 = arith.constant 16 : i32
        %mul3A_183 = arith.muli %scan3A_162, %mul3A_182 : i32
        %add3A_184 = arith.constant 12288 : i32
        %add3A_185 = arith.addi %add3A_184, %mul3A_183 : i32
        %get3A_186 = arith.index_cast %add3A_185 : i32 to index
        %get3A_187 = tpu.vector_load %arg8[%get3A_186] {strides = array<i32>} : memref<65536xf32, #tpu.memory_space<vmem>>, vector<16xf32>,
        %mul3A_188 = arith.constant 16 : i32
        %mul3A_189 = arith.muli %scan3A_162, %mul3A_188 : i32
        %add3A_190 = arith.constant 16384 : i32
        %add3A_191 = arith.addi %add3A_190, %mul3A_189 : i32
        %get3A_192 = arith.index_cast %add3A_191 : i32 to index
        %get3A_193 = tpu.vector_load %arg8[%get3A_192] {strides = array<i32>} : memref<65536xf32, #tpu.memory_space<vmem>>, vector<16xf32>,
        %mul3A_194 = arith.constant 16 : i32
        %mul3A_195 = arith.muli %scan3A_162, %mul3A_194 : i32
        %add3A_196 = arith.constant 20480 : i32
        %add3A_197 = arith.addi %add3A_196, %mul3A_195 : i32
        %get3A_198 = arith.index_cast %add3A_197 : i32 to index
        %get3A_199 = tpu.vector_load %arg8[%get3A_198] {strides = array<i32>} : memref<65536xf32, #tpu.memory_space<vmem>>, vector<16xf32>,
        %mul3A_200 = arith.constant 16 : i32
        %mul3A_201 = arith.muli %scan3A_162, %mul3A_200 : i32
        %add3A_202 = arith.constant 24576 : i32
        %add3A_203 = arith.addi %add3A_202, %mul3A_201 : i32
        %get3A_204 = arith.index_cast %add3A_203 : i32 to index
        %get3A_205 = tpu.vector_load %arg8[%get3A_204] {strides = array<i32>} : memref<65536xf32, #tpu.memory_space<vmem>>, vector<16xf32>,
        %mul3A_206 = arith.constant 16 : i32
        %mul3A_207 = arith.muli %scan3A_162, %mul3A_206 : i32
        %add3A_208 = arith.constant 28672 : i32
        %add3A_209 = arith.addi %add3A_208, %mul3A_207 : i32
        %get3A_210 = arith.index_cast %add3A_209 : i32 to index
        %get3A_211 = tpu.vector_load %arg8[%get3A_210] {strides = array<i32>} : memref<65536xf32, #tpu.memory_space<vmem>>, vector<16xf32>,
        %mul3A_212 = arith.constant 16 : i32
        %mul3A_213 = arith.muli %scan3A_162, %mul3A_212 : i32
        %add3A_214 = arith.constant 32768 : i32
        %add3A_215 = arith.addi %add3A_214, %mul3A_213 : i32
        %get3A_216 = arith.index_cast %add3A_215 : i32 to index
        %get3A_217 = tpu.vector_load %arg8[%get3A_216] {strides = array<i32>} : memref<65536xf32, #tpu.memory_space<vmem>>, vector<16xf32>,
        %mul3A_218 = arith.constant 16 : i32
        %mul3A_219 = arith.muli %scan3A_162, %mul3A_218 : i32
        %add3A_220 = arith.constant 36864 : i32
        %add3A_221 = arith.addi %add3A_220, %mul3A_219 : i32
        %get3A_222 = arith.index_cast %add3A_221 : i32 to index
        %get3A_223 = tpu.vector_load %arg8[%get3A_222] {strides = array<i32>} : memref<65536xf32, #tpu.memory_space<vmem>>, vector<16xf32>,
        %mul3A_224 = arith.constant 16 : i32
        %mul3A_225 = arith.muli %scan3A_162, %mul3A_224 : i32
        %add3A_226 = arith.constant 40960 : i32
        %add3A_227 = arith.addi %add3A_226, %mul3A_225 : i32
        %get3A_228 = arith.index_cast %add3A_227 : i32 to index
        %get3A_229 = tpu.vector_load %arg8[%get3A_228] {strides = array<i32>} : memref<65536xf32, #tpu.memory_space<vmem>>, vector<16xf32>,
        %mul3A_230 = arith.constant 16 : i32
        %mul3A_231 = arith.muli %scan3A_162, %mul3A_230 : i32
        %add3A_232 = arith.constant 45056 : i32
        %add3A_233 = arith.addi %add3A_232, %mul3A_231 : i32
        %get3A_234 = arith.index_cast %add3A_233 : i32 to index
        %get3A_235 = tpu.vector_load %arg8[%get3A_234] {strides = array<i32>} : memref<65536xf32, #tpu.memory_space<vmem>>, vector<16xf32>,
        %mul3A_236 = arith.constant 16 : i32
        %mul3A_237 = arith.muli %scan3A_162, %mul3A_236 : i32
        %add3A_238 = arith.constant 49152 : i32
        %add3A_239 = arith.addi %add3A_238, %mul3A_237 : i32
        %get3A_240 = arith.index_cast %add3A_239 : i32 to index
        %get3A_241 = tpu.vector_load %arg8[%get3A_240] {strides = array<i32>} : memref<65536xf32, #tpu.memory_space<vmem>>, vector<16xf32>,
        %mul3A_242 = arith.constant 16 : i32
        %mul3A_243 = arith.muli %scan3A_162, %mul3A_242 : i32
        %add3A_244 = arith.constant 53248 : i32
        %add3A_245 = arith.addi %add3A_244, %mul3A_243 : i32
        %get3A_246 = arith.index_cast %add3A_245 : i32 to index
        %get3A_247 = tpu.vector_load %arg8[%get3A_246] {strides = array<i32>} : memref<65536xf32, #tpu.memory_space<vmem>>, vector<16xf32>,
        %mul3A_248 = arith.constant 16 : i32
        %mul3A_249 = arith.muli %scan3A_162, %mul3A_248 : i32
        %add3A_250 = arith.constant 57344 : i32
        %add3A_251 = arith.addi %add3A_250, %mul3A_249 : i32
        %get3A_252 = arith.index_cast %add3A_251 : i32 to index
        %get3A_253 = tpu.vector_load %arg8[%get3A_252] {strides = array<i32>} : memref<65536xf32, #tpu.memory_space<vmem>>, vector<16xf32>,
        %mul3A_254 = arith.constant 16 : i32
        %mul3A_255 = arith.muli %scan3A_162, %mul3A_254 : i32
        %add3A_256 = arith.constant 61440 : i32
        %add3A_257 = arith.addi %add3A_256, %mul3A_255 : i32
        %get3A_258 = arith.index_cast %add3A_257 : i32 to index
        %get3A_259 = tpu.vector_load %arg8[%get3A_258] {strides = array<i32>} : memref<65536xf32, #tpu.memory_space<vmem>>, vector<16xf32>,
        %add3A_260 = arith.addf %get3A_169, %get3A_175 : vector<16xf32>
        %add3A_261 = arith.addf %get3A_181, %get3A_187 : vector<16xf32>
        %add3A_262 = arith.addf %get3A_193, %get3A_199 : vector<16xf32>
        %add3A_263 = arith.addf %get3A_205, %get3A_211 : vector<16xf32>
        %add3A_264 = arith.addf %get3A_217, %get3A_223 : vector<16xf32>
        %add3A_265 = arith.addf %get3A_229, %get3A_235 : vector<16xf32>
        %add3A_266 = arith.addf %get3A_241, %get3A_247 : vector<16xf32>
        %add3A_267 = arith.addf %get3A_253, %get3A_259 : vector<16xf32>
        %add3A_268 = arith.addf %add3A_260, %add3A_261 : vector<16xf32>
        %add3A_269 = arith.addf %add3A_262, %add3A_263 : vector<16xf32>
        %add3A_270 = arith.addf %add3A_264, %add3A_265 : vector<16xf32>
        %add3A_271 = arith.addf %add3A_266, %add3A_267 : vector<16xf32>
        %add3A_272 = arith.addf %add3A_268, %add3A_269 : vector<16xf32>
        %add3A_273 = arith.addf %add3A_270, %add3A_271 : vector<16xf32>
        %add3A_274 = arith.addf %add3A_272, %add3A_273 : vector<16xf32>
        %mul3A_275 = arith.constant 16 : i32
        %mul3A_276 = arith.muli %scan3A_162, %mul3A_275 : i32
        %get3A_277 = arith.index_cast %mul3A_276 : i32 to index
        %get3A_278 = tpu.vector_load %arg9[%get3A_277] {strides = array<i32>} : memref<4096xf32, #tpu.memory_space<vmem>>, vector<16xf32>,
        %sub3A_279 = arith.subf %add3A_274, %get3A_278 : vector<16xf32>
        %mul3A_280 = arith.constant 16 : i32
        %mul3A_281 = arith.muli %scan3A_162, %mul3A_280 : i32
        %swap3A = arith.constant 0 : i32
        %swap3A_282 = arith.index_cast %swap3A : i32 to index
        %swap3A_283 = arith.index_cast %mul3A_281 : i32 to index
        %swap3A_284 = tpu.vector_load %arg10[%swap3A_282, %swap3A_283] {strides = array<i32>} : memref<2x4096xf32, #tpu.memory_space<vmem>>, vector<16xf32>,
        tpu.vector_store %arg10[%swap3A_282, %swap3A_283], %sub3A_279 {strides = array<i32>} : memref<2x4096xf32, #tpu.memory_space<vmem>>, vector<16xf32>,
        %scan3A_285 = arith.constant 0 : i32
        %scan3A_286 = arith.constant 1 : i32
        %scan3A_287 = arith.addi %scan3A_162, %scan3A_286 : i32
        %mul3A_288 = arith.constant 16 : i32
        %mul3A_289 = arith.muli %scan3A_287, %mul3A_288 : i32
        %add3A_290 = arith.constant 0 : i32
        %add3A_291 = arith.addi %add3A_290, %mul3A_289 : i32
        %get3A_292 = arith.index_cast %add3A_291 : i32 to index
        %get3A_293 = tpu.vector_load %arg8[%get3A_292] {strides = array<i32>} : memref<65536xf32, #tpu.memory_space<vmem>>, vector<16xf32>,
        %mul3A_294 = arith.constant 16 : i32
        %mul3A_295 = arith.muli %scan3A_287, %mul3A_294 : i32
        %add3A_296 = arith.constant 4096 : i32
        %add3A_297 = arith.addi %add3A_296, %mul3A_295 : i32
        %get3A_298 = arith.index_cast %add3A_297 : i32 to index
        %get3A_299 = tpu.vector_load %arg8[%get3A_298] {strides = array<i32>} : memref<65536xf32, #tpu.memory_space<vmem>>, vector<16xf32>,
        %mul3A_300 = arith.constant 16 : i32
        %mul3A_301 = arith.muli %scan3A_287, %mul3A_300 : i32
        %add3A_302 = arith.constant 8192 : i32
        %add3A_303 = arith.addi %add3A_302, %mul3A_301 : i32
        %get3A_304 = arith.index_cast %add3A_303 : i32 to index
        %get3A_305 = tpu.vector_load %arg8[%get3A_304] {strides = array<i32>} : memref<65536xf32, #tpu.memory_space<vmem>>, vector<16xf32>,
        %mul3A_306 = arith.constant 16 : i32
        %mul3A_307 = arith.muli %scan3A_287, %mul3A_306 : i32
        %add3A_308 = arith.constant 12288 : i32
        %add3A_309 = arith.addi %add3A_308, %mul3A_307 : i32
        %get3A_310 = arith.index_cast %add3A_309 : i32 to index
        %get3A_311 = tpu.vector_load %arg8[%get3A_310] {strides = array<i32>} : memref<65536xf32, #tpu.memory_space<vmem>>, vector<16xf32>,
        %mul3A_312 = arith.constant 16 : i32
        %mul3A_313 = arith.muli %scan3A_287, %mul3A_312 : i32
        %add3A_314 = arith.constant 16384 : i32
        %add3A_315 = arith.addi %add3A_314, %mul3A_313 : i32
        %get3A_316 = arith.index_cast %add3A_315 : i32 to index
        %get3A_317 = tpu.vector_load %arg8[%get3A_316] {strides = array<i32>} : memref<65536xf32, #tpu.memory_space<vmem>>, vector<16xf32>,
        %mul3A_318 = arith.constant 16 : i32
        %mul3A_319 = arith.muli %scan3A_287, %mul3A_318 : i32
        %add3A_320 = arith.constant 20480 : i32
        %add3A_321 = arith.addi %add3A_320, %mul3A_319 : i32
        %get3A_322 = arith.index_cast %add3A_321 : i32 to index
        %get3A_323 = tpu.vector_load %arg8[%get3A_322] {strides = array<i32>} : memref<65536xf32, #tpu.memory_space<vmem>>, vector<16xf32>,
        %mul3A_324 = arith.constant 16 : i32
        %mul3A_325 = arith.muli %scan3A_287, %mul3A_324 : i32
        %add3A_326 = arith.constant 24576 : i32
        %add3A_327 = arith.addi %add3A_326, %mul3A_325 : i32
        %get3A_328 = arith.index_cast %add3A_327 : i32 to index
        %get3A_329 = tpu.vector_load %arg8[%get3A_328] {strides = array<i32>} : memref<65536xf32, #tpu.memory_space<vmem>>, vector<16xf32>,
        %mul3A_330 = arith.constant 16 : i32
        %mul3A_331 = arith.muli %scan3A_287, %mul3A_330 : i32
        %add3A_332 = arith.constant 28672 : i32
        %add3A_333 = arith.addi %add3A_332, %mul3A_331 : i32
        %get3A_334 = arith.index_cast %add3A_333 : i32 to index
        %get3A_335 = tpu.vector_load %arg8[%get3A_334] {strides = array<i32>} : memref<65536xf32, #tpu.memory_space<vmem>>, vector<16xf32>,
        %mul3A_336 = arith.constant 16 : i32
        %mul3A_337 = arith.muli %scan3A_287, %mul3A_336 : i32
        %add3A_338 = arith.constant 32768 : i32
        %add3A_339 = arith.addi %add3A_338, %mul3A_337 : i32
        %get3A_340 = arith.index_cast %add3A_339 : i32 to index
        %get3A_341 = tpu.vector_load %arg8[%get3A_340] {strides = array<i32>} : memref<65536xf32, #tpu.memory_space<vmem>>, vector<16xf32>,
        %mul3A_342 = arith.constant 16 : i32
        %mul3A_343 = arith.muli %scan3A_287, %mul3A_342 : i32
        %add3A_344 = arith.constant 36864 : i32
        %add3A_345 = arith.addi %add3A_344, %mul3A_343 : i32
        %get3A_346 = arith.index_cast %add3A_345 : i32 to index
        %get3A_347 = tpu.vector_load %arg8[%get3A_346] {strides = array<i32>} : memref<65536xf32, #tpu.memory_space<vmem>>, vector<16xf32>,
        %mul3A_348 = arith.constant 16 : i32
        %mul3A_349 = arith.muli %scan3A_287, %mul3A_348 : i32
        %add3A_350 = arith.constant 40960 : i32
        %add3A_351 = arith.addi %add3A_350, %mul3A_349 : i32
        %get3A_352 = arith.index_cast %add3A_351 : i32 to index
        %get3A_353 = tpu.vector_load %arg8[%get3A_352] {strides = array<i32>} : memref<65536xf32, #tpu.memory_space<vmem>>, vector<16xf32>,
        %mul3A_354 = arith.constant 16 : i32
        %mul3A_355 = arith.muli %scan3A_287, %mul3A_354 : i32
        %add3A_356 = arith.constant 45056 : i32
        %add3A_357 = arith.addi %add3A_356, %mul3A_355 : i32
        %get3A_358 = arith.index_cast %add3A_357 : i32 to index
        %get3A_359 = tpu.vector_load %arg8[%get3A_358] {strides = array<i32>} : memref<65536xf32, #tpu.memory_space<vmem>>, vector<16xf32>,
        %mul3A_360 = arith.constant 16 : i32
        %mul3A_361 = arith.muli %scan3A_287, %mul3A_360 : i32
        %add3A_362 = arith.constant 49152 : i32
        %add3A_363 = arith.addi %add3A_362, %mul3A_361 : i32
        %get3A_364 = arith.index_cast %add3A_363 : i32 to index
        %get3A_365 = tpu.vector_load %arg8[%get3A_364] {strides = array<i32>} : memref<65536xf32, #tpu.memory_space<vmem>>, vector<16xf32>,
        %mul3A_366 = arith.constant 16 : i32
        %mul3A_367 = arith.muli %scan3A_287, %mul3A_366 : i32
        %add3A_368 = arith.constant 53248 : i32
        %add3A_369 = arith.addi %add3A_368, %mul3A_367 : i32
        %get3A_370 = arith.index_cast %add3A_369 : i32 to index
        %get3A_371 = tpu.vector_load %arg8[%get3A_370] {strides = array<i32>} : memref<65536xf32, #tpu.memory_space<vmem>>, vector<16xf32>,
        %mul3A_372 = arith.constant 16 : i32
        %mul3A_373 = arith.muli %scan3A_287, %mul3A_372 : i32
        %add3A_374 = arith.constant 57344 : i32
        %add3A_375 = arith.addi %add3A_374, %mul3A_373 : i32
        %get3A_376 = arith.index_cast %add3A_375 : i32 to index
        %get3A_377 = tpu.vector_load %arg8[%get3A_376] {strides = array<i32>} : memref<65536xf32, #tpu.memory_space<vmem>>, vector<16xf32>,
        %mul3A_378 = arith.constant 16 : i32
        %mul3A_379 = arith.muli %scan3A_287, %mul3A_378 : i32
        %add3A_380 = arith.constant 61440 : i32
        %add3A_381 = arith.addi %add3A_380, %mul3A_379 : i32
        %get3A_382 = arith.index_cast %add3A_381 : i32 to index
        %get3A_383 = tpu.vector_load %arg8[%get3A_382] {strides = array<i32>} : memref<65536xf32, #tpu.memory_space<vmem>>, vector<16xf32>,
        %add3A_384 = arith.addf %get3A_293, %get3A_299 : vector<16xf32>
        %add3A_385 = arith.addf %get3A_305, %get3A_311 : vector<16xf32>
        %add3A_386 = arith.addf %get3A_317, %get3A_323 : vector<16xf32>
        %add3A_387 = arith.addf %get3A_329, %get3A_335 : vector<16xf32>
        %add3A_388 = arith.addf %get3A_341, %get3A_347 : vector<16xf32>
        %add3A_389 = arith.addf %get3A_353, %get3A_359 : vector<16xf32>
        %add3A_390 = arith.addf %get3A_365, %get3A_371 : vector<16xf32>
        %add3A_391 = arith.addf %get3A_377, %get3A_383 : vector<16xf32>
        %add3A_392 = arith.addf %add3A_384, %add3A_385 : vector<16xf32>
        %add3A_393 = arith.addf %add3A_386, %add3A_387 : vector<16xf32>
        %add3A_394 = arith.addf %add3A_388, %add3A_389 : vector<16xf32>
        %add3A_395 = arith.addf %add3A_390, %add3A_391 : vector<16xf32>
        %add3A_396 = arith.addf %add3A_392, %add3A_393 : vector<16xf32>
        %add3A_397 = arith.addf %add3A_394, %add3A_395 : vector<16xf32>
        %add3A_398 = arith.addf %add3A_396, %add3A_397 : vector<16xf32>
        %mul3A_399 = arith.constant 16 : i32
        %mul3A_400 = arith.muli %scan3A_287, %mul3A_399 : i32
        %get3A_401 = arith.index_cast %mul3A_400 : i32 to index
        %get3A_402 = tpu.vector_load %arg9[%get3A_401] {strides = array<i32>} : memref<4096xf32, #tpu.memory_space<vmem>>, vector<16xf32>,
        %sub3A_403 = arith.subf %add3A_398, %get3A_402 : vector<16xf32>
        %mul3A_404 = arith.constant 16 : i32
        %mul3A_405 = arith.muli %scan3A_287, %mul3A_404 : i32
        %swap3A_406 = arith.constant 0 : i32
        %swap3A_407 = arith.index_cast %swap3A_406 : i32 to index
        %swap3A_408 = arith.index_cast %mul3A_405 : i32 to index
        %swap3A_409 = tpu.vector_load %arg10[%swap3A_407, %swap3A_408] {strides = array<i32>} : memref<2x4096xf32, #tpu.memory_space<vmem>>, vector<16xf32>,
        tpu.vector_store %arg10[%swap3A_407, %swap3A_408], %sub3A_403 {strides = array<i32>} : memref<2x4096xf32, #tpu.memory_space<vmem>>, vector<16xf32>,
        %scan3A_410 = arith.constant 0 : i32
        scf.yield %scan3A_410 : i32
      }
      %scan3A_159 = arith.constant 256 : i32
      %mul3A_160 = arith.constant 4096 : i32
      %mul3A_161 = arith.muli %select_n3A, %mul3A_160 : i32
      %run_scoped3A = arith.constant 0 : i32
      "tpu.region"() ({
        %run_scoped3A_162 = tpu.sem_alloc : memref<!tpu.dma_semaphore, #tpu.memory_space<semaphore_mem>>
        %dma_start3A_163 = arith.constant 0 : i32
        %dma_start3A_164 = tpu.memref_slice %arg10[%run_scoped3A, %dma_start3A_163] : memref<2x4096xf32, #tpu.memory_space<vmem>> -> memref<1x4096xf32, #tpu.memory_space<vmem>>
        %dma_start3A_165 = tpu.memref_squeeze %dma_start3A_164 : memref<1x4096xf32, #tpu.memory_space<vmem>> -> memref<4096xf32, #tpu.memory_space<vmem>>
        %dma_start3A_166 = tpu.memref_slice %arg5[%mul3A_161] : memref<32768xf32, #tpu.memory_space<hbm>> -> memref<4096xf32, #tpu.memory_space<hbm>>
        %dma_start3A_167 = tpu.memref_slice %arg5[%mul3A_161] : memref<32768xf32, #tpu.memory_space<hbm>> -> memref<4096xf32, #tpu.memory_space<hbm>>
        %dma_start3A_168 = arith.constant 0 : i32
        %dma_start3A_169 = tpu.memref_slice %arg10[%run_scoped3A, %dma_start3A_168] : memref<2x4096xf32, #tpu.memory_space<vmem>> -> memref<1x4096xf32, #tpu.memory_space<vmem>>
        %dma_start3A_170 = tpu.memref_squeeze %dma_start3A_169 : memref<1x4096xf32, #tpu.memory_space<vmem>> -> memref<4096xf32, #tpu.memory_space<vmem>>
        tpu.enqueue_dma source(%dma_start3A_170 : memref<4096xf32, #tpu.memory_space<vmem>>) target(%dma_start3A_167 : memref<4096xf32, #tpu.memory_space<hbm>>) target_semaphore(%run_scoped3A_162 : memref<!tpu.dma_semaphore, #tpu.memory_space<semaphore_mem>>)
        %dma_wait3A_171 = arith.constant 0 : i32
        %dma_wait3A_172 = tpu.memref_slice %arg10[%run_scoped3A, %dma_wait3A_171] : memref<2x4096xf32, #tpu.memory_space<vmem>> -> memref<1x4096xf32, #tpu.memory_space<vmem>>
        %dma_wait3A_173 = tpu.memref_squeeze %dma_wait3A_172 : memref<1x4096xf32, #tpu.memory_space<vmem>> -> memref<4096xf32, #tpu.memory_space<vmem>>
        %dma_wait3A_174 = tpu.memref_slice %arg5[%mul3A_161] : memref<32768xf32, #tpu.memory_space<hbm>> -> memref<4096xf32, #tpu.memory_space<hbm>>
        %dma_wait3A_175 = tpu.memref_slice %arg5[%mul3A_161] : memref<32768xf32, #tpu.memory_space<hbm>> -> memref<4096xf32, #tpu.memory_space<hbm>>
        %dma_wait3A_176 = arith.constant 0 : i32
        %dma_wait3A_177 = tpu.memref_slice %arg10[%run_scoped3A, %dma_wait3A_176] : memref<2x4096xf32, #tpu.memory_space<vmem>> -> memref<1x4096xf32, #tpu.memory_space<vmem>>
        %dma_wait3A_178 = tpu.memref_squeeze %dma_wait3A_177 : memref<1x4096xf32, #tpu.memory_space<vmem>> -> memref<4096xf32, #tpu.memory_space<vmem>>
        tpu.wait_dma2 semaphore(%run_scoped3A_162 : memref<!tpu.dma_semaphore, #tpu.memory_space<semaphore_mem>>) src(%dma_wait3A_178 : memref<4096xf32, #tpu.memory_space<vmem>>) dst(%dma_wait3A_175 : memref<4096xf32, #tpu.memory_space<hbm>>)
        tpu.yield
      }) : () -> ()
    } else {
    }
    return
  }
}

module attributes {stable_mosaic.version = 14 : i64} {
  func.func @_lin_body(%arg0: i32, %arg1: memref<8x65536xf32, #tpu.memory_space<vmem>>, %arg2: memref<262144xi32, #tpu.memory_space<vmem>>) attributes {dimension_semantics = [#tpu.dimension_semantics<arbitrary>], iteration_bounds = array<i64: 64>, scalar_prefetch = 0 : i64, scratch_operands = 0 : i64, tpu.core_type = #tpu.core_type<tc>, window_params = [{transform_indices = @transform_0, window_bounds = array<i64: 8, 65536>}, {transform_indices = @transform_1, window_bounds = array<i64: 262144>}]} {
    %get3A = arith.constant 0 : index
    %get3A_0 = arith.constant 0 : index
    %get3A_1 = vector.load %arg1[%get3A, %get3A_0] : memref<8x65536xf32, #tpu.memory_space<vmem>>, vector<8x32768xf32>
    %convert_element_type3A = arith.truncf %get3A_1 : vector<8x32768xf32> to vector<8x32768xbf16>
    %bitcast_convert_type3A = tpu.bitcast %convert_element_type3A : vector<8x32768xbf16> -> vector<8x32768xi16>
    %convert_element_type3A_2 = arith.extui %bitcast_convert_type3A : vector<8x32768xi16> to vector<8x32768xi32>
    %get3A_3 = arith.constant 0 : index
    %get3A_4 = arith.constant 32768 : index
    %get3A_5 = vector.load %arg1[%get3A_3, %get3A_4] : memref<8x65536xf32, #tpu.memory_space<vmem>>, vector<8x32768xf32>
    %convert_element_type3A_6 = arith.truncf %get3A_5 : vector<8x32768xf32> to vector<8x32768xbf16>
    %bitcast_convert_type3A_7 = tpu.bitcast %convert_element_type3A_6 : vector<8x32768xbf16> -> vector<8x32768xi16>
    %convert_element_type3A_8 = arith.extui %bitcast_convert_type3A_7 : vector<8x32768xi16> to vector<8x32768xi32>
    %shift_left3A = arith.constant 16 : i32
    %shift_left3A_9 = vector.broadcast %shift_left3A : i32 to vector<8x32768xi32>
    %shift_left3A_10 = arith.shli %convert_element_type3A_8, %shift_left3A_9 : vector<8x32768xi32>
    %or3A = arith.ori %convert_element_type3A_2, %shift_left3A_10 : vector<8x32768xi32>
    %reshape3A = vector.shape_cast %or3A : vector<8x32768xi32> to vector<262144xi32>
    %swap3A = arith.constant 0 : index
    %swap3A_11 = vector.load %arg2[%swap3A] : memref<262144xi32, #tpu.memory_space<vmem>>, vector<262144xi32>
    tpu.vector_store %arg2[%swap3A], %reshape3A {strides = array<i32>} : memref<262144xi32, #tpu.memory_space<vmem>>, vector<262144xi32>,
    return
  }
  func.func @transform_0(%arg0: i32) -> (i32, i32) {
    %c0_i32 = arith.constant 0 : i32
    %c0_i32_0 = arith.constant 0 : i32
    return %arg0, %c0_i32 : i32, i32
  }
  func.func @transform_1(%arg0: i32) -> i32 {
    %c0_i32 = arith.constant 0 : i32
    return %arg0 : i32
  }
}

module attributes {stable_mosaic.version = 14 : i64} {
  func.func @_idx_body(%arg0: i32, %arg1: memref<1x3x65536xf32, #tpu.memory_space<vmem>>, %arg2: memref<32768xi32, #tpu.memory_space<vmem>>) attributes {dimension_semantics = [#tpu.dimension_semantics<arbitrary>], iteration_bounds = array<i64: 8>, scalar_prefetch = 0 : i64, scratch_operands = 0 : i64, tpu.core_type = #tpu.core_type<tc>, window_params = [{transform_indices = @transform_0, window_bounds = array<i64: 1, 3, 65536>}, {transform_indices = @transform_1, window_bounds = array<i64: 32768>}]} {
    %get3A = arith.constant 0 : index
    %get3A_0 = arith.constant 0 : index
    %get3A_1 = arith.constant 0 : index
    %get3A_2 = vector.load %arg1[%get3A, %get3A_0, %get3A_1] : memref<1x3x65536xf32, #tpu.memory_space<vmem>>, vector<1x3x65536xf32>
    %get3A_3 = vector.shape_cast %get3A_2 : vector<1x3x65536xf32> to vector<3x65536xf32>
    %mul3A = arith.constant 1.600000e+01 : f32
    %mul3A_4 = vector.broadcast %mul3A : f32 to vector<3x65536xf32>
    %mul3A_5 = arith.mulf %get3A_3, %mul3A_4 : vector<3x65536xf32>
    %convert_element_type3A = arith.fptosi %mul3A_5 : vector<3x65536xf32> to vector<3x65536xi32>
    %jit3A = arith.constant 0 : i32
    %jit3A_6 = arith.constant 15 : i32
    %max3A = vector.broadcast %jit3A : i32 to vector<3x65536xi32>
    %max3A_7 = arith.maxsi %max3A, %convert_element_type3A : vector<3x65536xi32>
    %min3A = vector.broadcast %jit3A_6 : i32 to vector<3x65536xi32>
    %min3A_8 = arith.minsi %min3A, %max3A_7 : vector<3x65536xi32>
    %slice3A = vector.extract_strided_slice %min3A_8 {offsets = [2, 0], sizes = [1, 65536], strides = [1, 1]} : vector<3x65536xi32> to vector<1x65536xi32>
    %squeeze3A = vector.shape_cast %slice3A : vector<1x65536xi32> to vector<65536xi32>
    %mul3A_9 = arith.constant 256 : i32
    %mul3A_10 = vector.broadcast %mul3A_9 : i32 to vector<65536xi32>
    %mul3A_11 = arith.muli %squeeze3A, %mul3A_10 : vector<65536xi32>
    %slice3A_12 = vector.extract_strided_slice %min3A_8 {offsets = [1, 0], sizes = [1, 65536], strides = [1, 1]} : vector<3x65536xi32> to vector<1x65536xi32>
    %squeeze3A_13 = vector.shape_cast %slice3A_12 : vector<1x65536xi32> to vector<65536xi32>
    %mul3A_14 = arith.constant 16 : i32
    %mul3A_15 = vector.broadcast %mul3A_14 : i32 to vector<65536xi32>
    %mul3A_16 = arith.muli %squeeze3A_13, %mul3A_15 : vector<65536xi32>
    %add3A = arith.addi %mul3A_11, %mul3A_16 : vector<65536xi32>
    %slice3A_17 = vector.extract_strided_slice %min3A_8 {offsets = [0, 0], sizes = [1, 65536], strides = [1, 1]} : vector<3x65536xi32> to vector<1x65536xi32>
    %squeeze3A_18 = vector.shape_cast %slice3A_17 : vector<1x65536xi32> to vector<65536xi32>
    %add3A_19 = arith.addi %add3A, %squeeze3A_18 : vector<65536xi32>
    %iota3A = tpu.iota {dimensions = array<i32: 1>} : vector<1x65536xi32>
    %iota3A_20 = vector.shape_cast %iota3A : vector<1x65536xi32> to vector<65536xi32>
    %and3A = arith.constant 15 : i32
    %and3A_21 = vector.broadcast %and3A : i32 to vector<65536xi32>
    %and3A_22 = arith.andi %iota3A_20, %and3A_21 : vector<65536xi32>
    %mul3A_23 = arith.constant 4096 : i32
    %mul3A_24 = vector.broadcast %mul3A_23 : i32 to vector<65536xi32>
    %mul3A_25 = arith.muli %and3A_22, %mul3A_24 : vector<65536xi32>
    %add3A_26 = arith.addi %add3A_19, %mul3A_25 : vector<65536xi32>
    %slice3A_27 = vector.extract_strided_slice %add3A_26 {offsets = [0], sizes = [32768], strides = [1]} : vector<65536xi32> to vector<32768xi32>
    %slice3A_28 = vector.extract_strided_slice %add3A_26 {offsets = [32768], sizes = [32768], strides = [1]} : vector<65536xi32> to vector<32768xi32>
    %shift_left3A = arith.constant 16 : i32
    %shift_left3A_29 = vector.broadcast %shift_left3A : i32 to vector<32768xi32>
    %shift_left3A_30 = arith.shli %slice3A_28, %shift_left3A_29 : vector<32768xi32>
    %or3A = arith.ori %slice3A_27, %shift_left3A_30 : vector<32768xi32>
    %swap3A = arith.constant 0 : index
    %swap3A_31 = vector.load %arg2[%swap3A] : memref<32768xi32, #tpu.memory_space<vmem>>, vector<32768xi32>
    tpu.vector_store %arg2[%swap3A], %or3A {strides = array<i32>} : memref<32768xi32, #tpu.memory_space<vmem>>, vector<32768xi32>,
    return
  }
  func.func @transform_0(%arg0: i32) -> (i32, i32, i32) {
    %c0_i32 = arith.constant 0 : i32
    %c0_i32_0 = arith.constant 0 : i32
    %c0_i32_1 = arith.constant 0 : i32
    return %arg0, %c0_i32, %c0_i32_0 : i32, i32, i32
  }
  func.func @transform_1(%arg0: i32) -> i32 {
    %c0_i32 = arith.constant 0 : i32
    return %arg0 : i32
  }
}

module attributes {stable_mosaic.version = 14 : i64} {
  func.func @_div_body(%arg0: i32, %arg1: memref<262144xf32, #tpu.memory_space<vmem>>, %arg2: memref<4096xf32, #tpu.memory_space<vmem>>, %arg3: memref<1x64x4096xf32, #tpu.memory_space<vmem>>) attributes {dimension_semantics = [#tpu.dimension_semantics<arbitrary>], iteration_bounds = array<i64: 8>, scalar_prefetch = 0 : i64, scratch_operands = 0 : i64, tpu.core_type = #tpu.core_type<tc>, window_params = [{transform_indices = @transform_0, window_bounds = array<i64: 262144>}, {transform_indices = @transform_1, window_bounds = array<i64: 4096>}, {transform_indices = @transform_2, window_bounds = array<i64: 1, 64, 4096>}]} {
    %get3A = arith.constant 0 : index
    %get3A_0 = vector.load %arg1[%get3A] : memref<262144xf32, #tpu.memory_space<vmem>>, vector<262144xf32>
    %reshape3A = vector.shape_cast %get3A_0 : vector<262144xf32> to vector<64x4096xf32>
    %get3A_1 = arith.constant 0 : index
    %get3A_2 = vector.load %arg2[%get3A_1] : memref<4096xf32, #tpu.memory_space<vmem>>, vector<4096xf32>
    %max3A = arith.constant 1.000000e+00 : f32
    %max3A_3 = vector.broadcast %max3A : f32 to vector<4096xf32>
    %max3A_4 = arith.maximumf %get3A_2, %max3A_3 : vector<4096xf32>
    %broadcast_in_dim3A = vector.shape_cast %max3A_4 : vector<4096xf32> to vector<1x4096xf32>
    %div3A = vector.broadcast %broadcast_in_dim3A : vector<1x4096xf32> to vector<64x4096xf32>
    %div3A_5 = arith.divf %reshape3A, %div3A : vector<64x4096xf32>
    %swap3A = arith.constant 0 : index
    %swap3A_6 = arith.constant 0 : index
    %swap3A_7 = arith.constant 0 : index
    %swap3A_8 = vector.load %arg3[%swap3A, %swap3A_6, %swap3A_7] : memref<1x64x4096xf32, #tpu.memory_space<vmem>>, vector<1x64x4096xf32>
    %swap3A_9 = vector.shape_cast %swap3A_8 : vector<1x64x4096xf32> to vector<64x4096xf32>
    %swap3A_10 = vector.shape_cast %div3A_5 : vector<64x4096xf32> to vector<1x64x4096xf32>
    tpu.vector_store %arg3[%swap3A, %swap3A_6, %swap3A_7], %swap3A_10 {strides = array<i32>} : memref<1x64x4096xf32, #tpu.memory_space<vmem>>, vector<1x64x4096xf32>,
    return
  }
  func.func @transform_0(%arg0: i32) -> i32 {
    %c0_i32 = arith.constant 0 : i32
    return %arg0 : i32
  }
  func.func @transform_1(%arg0: i32) -> i32 {
    %c0_i32 = arith.constant 0 : i32
    return %arg0 : i32
  }
  func.func @transform_2(%arg0: i32) -> (i32, i32, i32) {
    %c0_i32 = arith.constant 0 : i32
    %c0_i32_0 = arith.constant 0 : i32
    %c0_i32_1 = arith.constant 0 : i32
    return %arg0, %c0_i32, %c0_i32_0 : i32, i32, i32
  }
}

</mosaic_0001>

<sc_bundles>
// kernel: kernel.6.cloned.1.call-start
scs
__scs_entry_jumppad:
0x0: {  	(pc) =	sbr.rel $0x88, $3  }
0x1: {  	(tag) =	ssettag $0x0;
	lr =	simm.s32 $0x1  }
0x2: {  	[smem:$0x3F9F] =	sst lr;
	_ =	strace $0xD0000000  }
0x3: {  	_ = 	snop  }
0x4: {  	_ = 	snop  }
0x5: {  	_ = 	snop  }
0x6: {  	_ = 	snop  }
0x7: {  	_ = 	snop  }
__scs_overlays_trampoline_lowered:
0x8: {  	[smem:$0x3FAE] =	sst s0  }
0x9: {  	[smem:$0x3FAF] =	sst s1  }
0xa: {  	[smem:$0x3FB0] =	sst s2  }
0xb: {  	[smem:$0x3FB1] =	sst s3  }
0xc: {  	[smem:$0x3FB2] =	sst s4  }
0xd: {  	[smem:$0x3FB3] =	sst s5  }
0xe: {  	[smem:$0x3FB4] =	sst s6  }
0xf: {  	[smem:$0x3FB5] =	sst s7  }
0x10: {  	[smem:$0x3FB6] =	sst s8  }
0x11: {  	[smem:$0x3FB7] =	sst s9;
	s0 =	simm.s32 @!p0 $0x0  }
0x12: {  	s1 =	sld [smem:$0x3F9D];
	s0 =	simm.s32 @p0 $0x1  }
0x13: {  	[smem:$0x3FB8] =	sst s0;
	s0 =	simm.s32 @!p1 $0x0  }
0x14: {  	s2 =	sld [smem:$0x3F9C];
	s0 =	simm.s32 @p1 $0x1  }
0x15: {  	[smem:$0x3FB9] =	sst s0;
	s0 =	simm.s32 @!p2 $0x0  }
0x16: {  	s3 =	sld [smem:$0x3FDB];
	s0 =	simm.s32 @p2 $0x1  }
0x17: {  	s4 =	simm.s32 $0x1BF5;
	[smem:$0x3FBB] =	sst s0  }
0x18: {  	s0 =	sld [smem:$0x3F9E];
	_ =	swait.ge [sflag:s4], $0x0  }
0x19: {  	s7 =	sld [smem:$0x3F9F]  }
0x1a: {  	s8 =	sadd.s32 $0xFFFFE003, lr  }
0x1b: {  	s9 =	sadd.s32 $0xFFFFFEF7, lr;
	s5 =	simm.s32 $0xFFFFFFFF;
	p2 =	slt.u32 s8, $0xFFFFF086  }
0x1c: {  	p1 =	slt.u32 s9, $0xF7A;
	s5 =	simm.s32 @!p2 $0x0  }
0x1d: {  	s5 =	simm.s32 @p1 $0x1;
	p0 =	seq.s32 s7, s2  }
0x1e: {  	s7 =	smul.u32 @!p0 $0xF7A, s2;
	p2 =	seq.s32 @!p0 s5, $0x0  }
0x1f: {  	s9 =	smul.u32 $0xF7A, s1;
	s8 =	simm.s32 @!p0 $0x1BF5;
	p2 =	por !p2, p0  }
0x20: {  	[sflag:s8] =	ssyncset.s32 @!p0 $0xFFFFF086;
	s6 =	sadd.s32 @!p0 s3, s7;
	s7 =	simm.s32 @!p0 $0x108  }
0x21: {  	s3 =	sadd.s32 s3, s9;
	s6 =	sadd.s32 @!p0 $0x88, s6;
	s7 =	simm.s32 @p2 $0x1082  }
0x22: {  	[simem:s7], [sflag:s8] =	dma.local @!p0 [hbm:s6], $0xF7A  }
0x23: {  	s9 =	sor.u32 $0xD0000000, s2;
	s6 =	simm.s32 $0x108;
	_ =	swait.ge @!p0 [sflag:s8], $0x0  }
0x24: {  	s3 =	sadd.s32 $0x88, s3;
	s6 =	simm.s32 @!p1 $0x1082;
	[sflag:s4] =	ssyncset.s32 $0xFFFFF086  }
0x25: {  	[simem:s6], [sflag:s4] =	dma.local [hbm:s3], $0xF7A  }
0x26: {  	[smem:$0x3F9F] =	sst s1;
	(tag) =	ssettag s2;
	_ =	strace s9  }
0x27: {  	s1 =	sld [smem:$0x3FAF]  }
0x28: {  	s2 =	sld [smem:$0x3FB0]  }
0x29: {  	s4 =	sld [smem:$0x3FB2]  }
0x2a: {  	p0 =	seq.s32 s5, $0x0;
	s5 =	sld [smem:$0x3FB3]  }
0x2b: {  	s6 =	sld [smem:$0x3FB4]  }
0x2c: {  	s7 =	sld [smem:$0x3FB5]  }
0x2d: {  	s3 =	simm.s32 $0x108;
	s8 =	sld [smem:$0x3FB6]  }
0x2e: {  	s3 =	simm.s32 @!p0 $0x1082;
	s9 =	sld [smem:$0x3FB7]  }
0x2f: {  	lr =	sadd.s32 s0, s3;
	s0 =	sld [smem:$0x3FAE]  }
0x30: {  	s3 =	sld [smem:$0x3FB1]  }
0x31: {  	[smem:$0x3FBA] =	sst s10  }
0x32: {  	s10 =	sld [smem:$0x3FB8];
	_ =	sdelay $0x3  }
0x33: {  	p0 =	seq.s32 s10, $0x1;
	s10 =	sld [smem:$0x3FBA];
	_ =	sdelay $0x3  }
0x34: {  	[smem:$0x3FBA] =	sst s10  }
0x35: {  	s10 =	sld [smem:$0x3FB9];
	_ =	sdelay $0x3  }
0x36: {  	p1 =	seq.s32 s10, $0x1;
	s10 =	sld [smem:$0x3FBA];
	_ =	sdelay $0x3  }
0x37: {  	[smem:$0x3FBA] =	sst s10  }
0x38: {  	s10 =	sld [smem:$0x3FBB]  }
0x39: {  	_ = 	snop;
	(pc) =	sbr.ind lr, $3  }
0x3a: {  	_ = 	snop  }
0x3b: {  	_ = 	snop  }
0x3c: {  	p2 =	seq.s32 s10, $0x1;
	s10 =	sld [smem:$0x3FBA]  }
0x3d: {  	_ =	shalt  }
0x3e: {  	_ =	shalt  }
0x3f: {  	_ =	shalt  }
0x40: {  	_ =	shalt  }
0x41: {  	_ =	shalt  }
0x42: {  	_ =	shalt  }
0x43: {  	_ =	shalt  }
0x44: {  	_ =	shalt  }
0x45: {  	_ =	shalt  }
0x46: {  	_ =	shalt  }
0x47: {  	_ =	shalt  }
0x48: {  	_ =	shalt  }
0x49: {  	_ =	shalt  }
0x4a: {  	_ =	shalt  }
0x4b: {  	_ =	shalt  }
0x4c: {  	_ =	shalt  }
0x4d: {  	_ =	shalt  }
0x4e: {  	_ =	shalt  }
0x4f: {  	_ =	shalt  }
0x50: {  	_ =	shalt  }
0x51: {  	_ =	shalt  }
0x52: {  	_ =	shalt  }
0x53: {  	_ =	shalt  }
0x54: {  	_ =	shalt  }
0x55: {  	_ =	shalt  }
0x56: {  	_ =	shalt  }
0x57: {  	_ =	shalt  }
0x58: {  	_ =	shalt  }
0x59: {  	_ =	shalt  }
0x5a: {  	_ =	shalt  }
0x5b: {  	_ =	shalt  }
0x5c: {  	_ =	shalt  }
0x5d: {  	_ =	shalt  }
0x5e: {  	_ =	shalt  }
0x5f: {  	_ =	shalt  }
0x60: {  	_ =	shalt  }
0x61: {  	_ =	shalt  }
0x62: {  	_ =	shalt  }
0x63: {  	_ =	shalt  }
0x64: {  	_ =	shalt  }
0x65: {  	_ =	shalt  }
0x66: {  	_ =	shalt  }
0x67: {  	_ =	shalt  }
0x68: {  	_ =	shalt  }
0x69: {  	_ =	shalt  }
0x6a: {  	_ =	shalt  }
0x6b: {  	_ =	shalt  }
0x6c: {  	_ =	shalt  }
0x6d: {  	_ =	shalt  }
0x6e: {  	_ =	shalt  }
0x6f: {  	_ =	shalt  }
0x70: {  	_ =	shalt  }
0x71: {  	_ =	shalt  }
0x72: {  	_ =	shalt  }
0x73: {  	_ =	shalt  }
0x74: {  	_ =	shalt  }
0x75: {  	_ =	shalt  }
0x76: {  	_ =	shalt  }
0x77: {  	_ =	shalt  }
0x78: {  	_ =	shalt  }
0x79: {  	_ =	shalt  }
0x7a: {  	_ =	shalt  }
0x7b: {  	_ =	shalt  }
0x7c: {  	_ =	shalt  }
0x7d: {  	_ =	shalt  }
0x7e: {  	_ =	shalt  }
0x7f: {  	_ =	shalt  }
0x80: {  	_ =	shalt  }
0x81: {  	_ =	shalt  }
0x82: {  	_ =	shalt  }
0x83: {  	_ =	shalt  }
0x84: {  	_ =	shalt  }
0x85: {  	_ =	shalt  }
0x86: {  	_ =	shalt  }
0x87: {  	_ =	shalt  }
.Lfunc_end0:
.L_simem_size_0:
called_computation_lowered:
.L_overlay_start_0:
0x88: {  	s2 =	sld [smem:$0x3FD9]  }
0x89: {  	s3 =	sld [smem:$0x3FFE];
	_ =	sdelay $0x1  }
0x8a: {  	s1 =	srdreg.scid  }
0x8b: {  	s0 =	sand.u32 $0x1, s1  }
0x8c: {  	s17 =	sshll.u32 s0, $0xA;
	s2 =	sadd.s32 s3, s2  }
0x8d: {  	s2 =	sadd.s32 s2, s17  }
0x8e: {  	[smem:$0x3FC6] =	sst s2  }
0x8f: {  	_ = 	snop  }
0x90: {  	s2 =	sld [smem:$0x3FD0];
	(tm) =	ssettm $0x1  }
0x91: {  	s18 =	sld [smem:$0x3FFB];
	_ =	sdelay $0x3  }
0x92: {  	_ =	strace s18  }
0x93: {  	s3 =	sld [smem:$0x3FFC];
	_ =	sdelay $0x3  }
0x94: {  	_ =	strace s3  }
0x95: {  	s3 =	sld [smem:$0x3FFD];
	_ =	sdelay $0x3  }
0x96: {  	_ =	strace s3  }
0x97: {  	_ =	strace $0x8FFFFFFF  }
0x98: {  	s19 =	sld [smem:$0x3FDB];
	_ =	sdelay $0x1  }
0x99: {  	s4 =	simm.s32 $_scs_section_size  }
0x9a: {  	s5 =	simm.s32 $_size__tile_overlayer_lowered;
	s6 =	simm.s32 $_tile_overlayer_lowered  }
0x9b: {  	s22 =	simm.s32 $0x1BFF;
	s21 =	sshll.u32 s6, $0x1;
	s3 =	sadd.s32 s4, s19  }
0x9c: {  	s7 =	simm.s32 $0x0;
	s20 =	sshll.u32 s5, $0x1;
	s5 =	sadd.s32 s21, s3  }
0x9d: {  	[timem:s7], [sflag:s22] =	dma.local [hbm:s5], s20  }
0x9e: {  	_ =	swait.ge [sflag:s22], s20  }
0x9f: {  	s4 =	ssub.s32 $0x0, s20;
	[sflag:s22] =	ssyncset.done $0x0  }
0xa0: {  	[sflag:s22] =	ssyncadd.s32 s4;
	_ =	sdelay $0x1  }
0xa1: {  	s23 =	simm.s32 $0x1B8B  }
0xa2: {  	_ =	swait.ge [sflag:s23], $0x1  }
0xa3: {  	[sflag:s23] =	ssyncset.done $0x0  }
0xa4: {  	s25 =	simm.s32 $0x1B8E;
	s24 =	sld [smem:$0x3FFE];
	[sflag:s23] =	ssyncadd.s32 $0xFFFFFFFF  }
0xa5: {  	s26 =	simm.s32 $execute0_lowered;
	[smem:$0x3FD2] =	sst s25  }
0xa6: {  	s5 =	sshll.u32 s26, $0x1;
	_ =	strace $0x80000046;
	[dreg:$0x1] =	wrdreg $0xFFFFFFFF  }
0xa7: {  	s28 =	simm.s32 $_size_execute0_lowered;
	s3 =	sadd.s32 s3, s5;
	[dreg:$0x0] =	wrdreg $0x0  }
0xa8: {  	s5 =	sshll.u32 s28, $0x1;
	[dreg:$0x2] =	wrdreg s3  }
0xa9: {  	[dreg:$0x3] =	wrdreg s5  }
0xaa: {  	[dreg:$0x4] =	wrdreg $0xC0  }
0xab: {  	_ =	task [dreg:s7], $0x5FFFF  }
0xac: {  	[dreg:$0x1] =	wrdreg $0xFFFFFFFF  }
0xad: {  	[dreg:$0x0] =	wrdreg $0x60  }
0xae: {  	[dreg:$0x2] =	wrdreg s24  }
0xaf: {  	[dreg:$0x3] =	wrdreg s2  }
0xb0: {  	[dreg:$0x4] =	wrdreg $0x9  }
0xb1: {  	_ =	task.clear_ibuf [dreg:s7], $0x5FFFF;
	_ =	strace $0x90000046  }
0xb2: {  	s29 =	simm.s32 $0x9;
	_ =	strace $0x80000048  }
0xb3: {  	_ =	swait.ge [sflag:s29], $0x1  }
0xb4: {  	[sflag:s29] =	ssyncadd.s32 $0xFFFFFFFF  }
0xb5: {  	_ =	strace $0x90000048  }
0xb6: {  	_ =	sfence  }
0xb7: {  	s30 =	sld [smem:$0x0];
	_ =	sdelay $0x2  }
0xb8: {  	s31 =	sshll.u32 s1, $0xD;
	s1 =	sshrl.u32 s1, $0x2  }
0xb9: {  	s3 =	sand.u32 $0x4000, s31;
	s1 =	sadd.s32 s1, s30  }
0xba: {  	s0 =	sor.u32 s3, s0;
	s1 =	sshll.u32 s1, $0x11  }
0xbb: {  	s0 =	sor.u32 s1, s0  }
0xbc: {  	s0 =	sadd.s32 $0x8F2B, s0  }
0xbd: {  	[sflag:s0] =	ssyncadd.remote.s32 $0x1  }
0xbe: {  	_ =	sfence.sel $0xFFFF  }
0xbf: {  	[dreg:$0x0] =	wrdreg $0xFFFFFFFF;
	(pc) =	sbr.abs _section_cstart, $3  }
0xc0: {  	[dreg:$0x1] =	wrdreg $0xFFFFFFFF  }
0xc1: {  	_ =	task.clear_ibuf [dreg:s7], $0x2FFFF;
	_ =	strace $0x9FFFFFFF  }
0xc2: {  	(tm) =	ssettm $0x7FFFFFFF  }
0xc3: {  	_ =	shalt  }
tec
execute0_lowered:
.L_overlay_start_1:
0x0: {  	(tag) =	ssettag $0x1  }
0x1: {  	s8 =	rddreg [dreg:$0x0]  }
0x2: {  	s1 =	rddreg [dreg:$0x1]  }
0x3: {  	s0 =	rddreg [dreg:$0x2];
	s3 =	simm.s32 $0x0;
	s2 =	stileid.u32  }
0x4: {  	s4 =	srdreg.scid;
	s13 =	simm.s32 $0x8000;
	s14 =	simm.s32 $0x1  }
0x5: {  	s15 =	simm.s32 $0xA000;
	s17 =	simm.s32 $0x1B000;
	s18 =	simm.s32 $0x0  }
0x6: {  	[smem:$0x7FF] =	sst s3;
	s7 =	sshrl.u32 s2, $0x1;
	s5 =	sshll.u32 s2, $0x1  }
0x7: {  	s9 =	sand.u32 $0x1, s4;
	s4 =	sadd.s32 $0x8E00, s8;
	_ =	strace $0x80000047  }
0x8: {  	s6 =	sshll.u32 s7, $0xC;
	s5 =	sand.u32 $0x2, s5;
	s11 =	sshll.u32 s7, $0x9  }
0x9: {  	s10 =	sadd.s32 s6, s8;
	s16 =	sor.u32 s9, s5;
	s9 =	ssub.s32 $0x2, s9  }
.Ltmp0:
0xa: {  	s6 =	sshll.u32 s7, $0x6;
	s11 =	sadd.s32 s11, s8;
	(pc) =	sbr.rel .LBB2_1-.Ltmp0, $4  }
0xb: {  	s5 =	sshll.u32 s16, $0x4;
	s12 =	sshrl.u32 s9, $0x1;
	s8 =	sadd.s32 $0xE00, s10  }
0xc: {  	s10 =	sadd.s32 $0x208E00, s11;
	p0 =	sne.s32 s16, $0x0;
	s7 =	sor.u32 s6, s5  }
0xd: {  	s16 =	simm.s32 $0x2;
	s12 =	ssub.s32 s9, s12;
	s31 =	sshll.u32 s7, $0xC  }
0xe: {  	v0 =	vimm.f32 $0.0e+00;
	v1 =	vimm.f32 $1.000000000e+00;
	s11 =	smax.u32 s12, $0x1;
	s12 =	simm.s32 $0x3;
	s9 =	sadd.s32 s4, s31  }
.LBB2_13:
0xf: {  	_ =	swait.ge [sflag:s16], $0x1000  }
.Ltmp1:
0x10: {  	[sflag:s16] =	ssyncset.done $0x0;
	(pc) =	sbr.rel @!p0 .LBB2_14-.Ltmp1, $4  }
0x11: {  	[sflag:s16] =	ssyncadd.s32 $0xFFFFF000  }
0x12: {  	_ =	swait.ge [sflag:s16], $0x1000  }
0x13: {  	[sflag:s16] =	ssyncset.done $0x0  }
0x14: {  	[sflag:s16] =	ssyncadd.s32 $0xFFFFF000  }
.LBB2_19:
0x15: {  	s18 =	sadd.s32 $0x1, s18  }
0x16: {  	p1 =	sne.s32 s18, s11  }
.Ltmp2:
0x17: {  	_ = 	snop;
	(pc) =	sbr.rel @!p1 .LBB2_20-.Ltmp2, $1  }
0x18: {  	_ =	sdelay $0x3  }
.LBB2_1:
0x19: {  	[tilespmem:s3], [sflag:$0x3] =	stream.linear.gather [hbm4b:s8+s3], $0x8000, $0x38;
	[tilespmem:$0x1D000] =	vst v63  }
0x1a: {  	_ =	swait.ge [sflag:s12], $0x8000  }
0x1b: {  	[sflag:s12] =	ssyncset.done $0x0  }
0x1c: {  	s20 =	simm.s32 $0xA040;
	[sflag:s12] =	ssyncadd.s32 $0xFFFF8000  }
0x1d: {  	[tilespmem:s20+$0xFFFFFFC0] =	vst v0  }
0x1e: {  	[tilespmem:s20+$0x30] =	vst v0  }
0x1f: {  	[tilespmem:s20+$0x20] =	vst v0  }
0x20: {  	[tilespmem:s20+$0x10] =	vst v0  }
0x21: {  	[tilespmem:s20+$0x0] =	vst v0  }
0x22: {  	[tilespmem:s20+$0xFFFFFFF0] =	vst v0  }
0x23: {  	s21 =	simm.s32 $0x0;
	[tilespmem:s20+$0xFFFFFFE0] =	vst v0  }
.LBB2_2:
0x24: {  	s21 =	sadd.s32 $0x8, s21;
	[tilespmem:s20+$0xFFFFFFD0] =	vst v0;
	s20 =	sadd.s32 $0x80, s20;
	s19 =	simm.s32 $0x1A040  }
0x25: {  	[tilespmem:s20+$0xFFFFFFC0] =	vst v0;
	p1 =	slt.u32 s21, $0xFF8  }
0x26: {  	[tilespmem:s20+$0x30] =	vst v0  }
.Ltmp3:
0x27: {  	[tilespmem:s20+$0x20] =	vst v0;
	(pc) =	sbr.rel @p1 .LBB2_2-.Ltmp3, $4  }
0x28: {  	[tilespmem:s20+$0x10] =	vst v0  }
0x29: {  	[tilespmem:s20+$0x0] =	vst v0  }
0x2a: {  	[tilespmem:s20+$0xFFFFFFF0] =	vst v0  }
0x2b: {  	[tilespmem:s20+$0xFFFFFFE0] =	vst v0  }
0x2c: {  	[tilespmem:s20+$0xFFFFFFD0] =	vst v0  }
0x2d: {  	[tilespmem:s19+$0xFFFFFFC0] =	vst v0  }
0x2e: {  	[tilespmem:s19+$0x30] =	vst v0  }
0x2f: {  	[tilespmem:s19+$0x20] =	vst v0  }
0x30: {  	[tilespmem:s19+$0x10] =	vst v0  }
0x31: {  	[tilespmem:s19+$0x0] =	vst v0  }
0x32: {  	[tilespmem:s19+$0xFFFFFFF0] =	vst v0  }
0x33: {  	s20 =	simm.s32 $0x0;
	[tilespmem:s19+$0xFFFFFFE0] =	vst v0  }
.LBB2_4:
0x34: {  	s20 =	sadd.s32 $0x8, s20;
	[tilespmem:s19+$0xFFFFFFD0] =	vst v0;
	s19 =	sadd.s32 $0x80, s19  }
0x35: {  	[tilespmem:s19+$0xFFFFFFC0] =	vst v0;
	p1 =	slt.u32 s20, $0xF8  }
0x36: {  	[tilespmem:s19+$0x30] =	vst v0  }
.Ltmp4:
0x37: {  	[tilespmem:s19+$0x20] =	vst v0;
	(pc) =	sbr.rel @p1 .LBB2_4-.Ltmp4, $4  }
0x38: {  	[tilespmem:s19+$0x10] =	vst v0  }
0x39: {  	[tilespmem:s19+$0x0] =	vst v0  }
0x3a: {  	[tilespmem:s19+$0xFFFFFFF0] =	vst v0  }
0x3b: {  	[tilespmem:s19+$0xFFFFFFE0] =	vst v0  }
.Ltmp5:
0x3c: {  	(pc) =	sbr.rel .LBB2_6-.Ltmp5, $3  }
0x3d: {  	_ =	sdelay $0x1  }
0x3e: {  	[tilespmem:s19+$0xFFFFFFD0] =	vst v0;
	s19 =	simm.s32 $0x0;
	p1 =	por $0x0, $0x0;
	s20 =	simm.s32 $0x0  }
0x3f: {  	[tilespmem:s13], [sflag:$0x1] =	stream.linear.gather [hbm4b:s9+s19], $0x1000, $0x38;
	[tilespmem:$0x1D000] =	vst v63  }
.LBB2_12:
0x40: {  	p2 =	sne.s32 s19, $0x80  }
.Ltmp6:
0x41: {  	_ = 	snop;
	(pc) =	sbr.rel @!p2 .LBB2_13-.Ltmp6, $2  }
0x42: {  	_ =	sdelay $0x2  }
0x43: {  	p1 =	por !p1, !p1;
	s20 =	sadd.s32 $0x1, s20  }
.LBB2_6:
0x44: {  	s21 =	smov.u32 s19  }
0x45: {  	s19 =	sadd.s32 $0x1, s19;
	p2 =	seq.s32 s21, $0x7F  }
0x46: {  	s22 =	sshrl.u32 @!p2 s19, $0x3;
	s23 =	sshll.u32 @!p2 s19, $0x9  }
0x47: {  	s24 =	sshll.u32 @!p2 s19, $0xC;
	s22 =	sadd.s32 @!p2 s22, s7;
	s23 =	sand.u32 @!p2 $0xE00, s23  }
0x48: {  	s24 =	sand.u32 @!p2 $0x1000, s24;
	s22 =	sshll.u32 @!p2 s22, $0xC;
	s23 =	sadd.s32 @!p2 s4, s23  }
0x49: {  	s24 =	sor.u32 @!p2 $0x8000, s24;
	s22 =	sadd.s32 @!p2 s22, s23;
	s23 =	simm.s32 @!p2 $0x0  }
0x4a: {  	[tilespmem:s24], [sflag:$0x1] =	stream.linear.gather @!p2 [hbm4b:s22+s23], $0x1000, $0x38;
	[tilespmem:$0x1D000] =	vst v63  }
0x4b: {  	_ =	swait.ge [sflag:s14], $0x1000  }
0x4c: {  	s22 =	sand.u32 $0x7, s21;
	[sflag:s14] =	ssyncset.done $0x0  }
0x4d: {  	s24 =	sshll.u32 s22, $0xC;
	[sflag:s14] =	ssyncadd.s32 $0xFFFFF000  }
0x4e: {  	v2 =	vld [tilespmem:s24+$0x0];
	_ =	sdelay $0x1  }
0x4f: {  	s25 =	sshll.u32 s21, $0xC  }
0x50: {  	s30 =	sand.u32 $0x7, s20;
	s25 =	sand.u32 $0x1000, s25  }
0x51: {  	s23 =	sshll.u32 s30, $0xC;
	v3 =	vld [tilespmem:s25+$0x8000]  }
0x52: {  	s26 =	sor.u32 $0x40, s23;
	s23 =	simm.s32 $0x1;
	v5 =	vand.u32 $0xFFFF, v2  }
0x53: {  	s23 =	simm.s32 @!p1 $0x0;
	v4 =	vld [tilespmem:s26+$0xFFFFFFD0];
	v2 =	vshrl.u32 v2, $0x10  }
0x54: {  	s23 =	sshll.u32 s23, $0xC  }
0x55: {  	s28 =	sor.u32 $0x8020, s23  }
0x56: {  	v6 =	vld [tilespmem:s28+$0xFFFFFFF0];
	v7 =	vshll.u32 v3, $0x10  }
0x57: {  	v3 =	vand.u32 $0xFFFF0000, v3;
	[tilespmem:v5+s15+$0x0] =	vst.idx.add.f32.msk $0xffff, v7  }
0x58: {  	v8 =	vand.u32 $0xFFFF, v4;
	[tilespmem:v2+s15+$0x0] =	vst.idx.add.f32.msk $0xffff, v3  }
0x59: {  	v4 =	vshrl.u32 v4, $0x10;
	v2 =	vld [tilespmem:s26+$0xFFFFFFE0];
	_ =	sdelay $0x2  }
0x5a: {  	v3 =	vshll.u32 v6, $0x10;
	v5 =	vld [tilespmem:s28+$0x0]  }
0x5b: {  	v6 =	vand.u32 $0xFFFF0000, v6;
	[tilespmem:v8+s15+$0x0] =	vst.idx.add.f32.msk $0xffff, v3  }
0x5c: {  	[tilespmem:v4+s15+$0x0] =	vst.idx.add.f32.msk $0xffff, v6;
	v3 =	vand.u32 $0xFFFF, v2  }
0x5d: {  	v4 =	vld [tilespmem:s26+$0xFFFFFFF0];
	v2 =	vshrl.u32 v2, $0x10;
	_ =	sdelay $0x2  }
0x5e: {  	v6 =	vld [tilespmem:s28+$0x10];
	v7 =	vshll.u32 v5, $0x10  }
0x5f: {  	[tilespmem:v3+s15+$0x0] =	vst.idx.add.f32.msk $0xffff, v7;
	v3 =	vand.u32 $0xFFFF0000, v5  }
0x60: {  	v63 =	vand.u32 $0xFFFF, v4;
	[tilespmem:v2+s15+$0x0] =	vst.idx.add.f32.msk $0xffff, v3  }
0x61: {  	v4 =	vshrl.u32 v4, $0x10;
	v3 =	vld [tilespmem:s26+$0x0]  }
0x62: {  	v2 =	vld [tilespmem:s28+$0x20]  }
0x63: {  	s31 =	sshll.u32 s21, $0x9  }
0x64: {  	s23 =	sand.u32 $0x1000, s31;
	v7 =	vshll.u32 v6, $0x10  }
0x65: {  	s29 =	simm.s32 $0x4;
	s23 =	sadd.s32 $0x1B000, s23;
	v5 =	vand.u32 $0xFFFF0000, v6;
	[tilespmem:v63+s15+$0x0] =	vst.idx.add.f32.msk $0xffff, v7  }
.LBB2_7:
0x66: {  	s29 =	sadd.s32 $0x4, s29;
	v6 =	vand.u32 $0xFFFF, v3;
	[tilespmem:v4+s15+$0x0] =	vst.idx.add.f32.msk $0xffff, v5;
	s28 =	sadd.s32 $0x40, s28;
	s26 =	sadd.s32 $0x40, s26  }
0x67: {  	v3 =	vshrl.u32 v3, $0x10;
	p2 =	slt.u32 s29, $0xF8;
	v4 =	vld [tilespmem:s26+$0xFFFFFFD0];
	v5 =	vand.u32 $0xFFFF0000, v2;
	v2 =	vshll.u32 v2, $0x10;
	_ =	sdelay $0x2  }
0x68: {  	v7 =	vld [tilespmem:s28+$0xFFFFFFF0]  }
0x69: {  	[tilespmem:v6+s15+$0x0] =	vst.idx.add.f32.msk $0xffff, v2  }
0x6a: {  	[tilespmem:v3+s15+$0x0] =	vst.idx.add.f32.msk $0xffff, v5;
	v2 =	vand.u32 $0xFFFF, v4  }
0x6b: {  	v4 =	vshrl.u32 v4, $0x10;
	v3 =	vld [tilespmem:s26+$0xFFFFFFE0];
	_ =	sdelay $0x2  }
0x6c: {  	v5 =	vshll.u32 v7, $0x10;
	v6 =	vld [tilespmem:s28+$0x0]  }
0x6d: {  	v7 =	vand.u32 $0xFFFF0000, v7;
	[tilespmem:v2+s15+$0x0] =	vst.idx.add.f32.msk $0xffff, v5  }
0x6e: {  	[tilespmem:v4+s15+$0x0] =	vst.idx.add.f32.msk $0xffff, v7;
	v2 =	vand.u32 $0xFFFF, v3  }
0x6f: {  	v3 =	vshrl.u32 v3, $0x10;
	v4 =	vld [tilespmem:s26+$0xFFFFFFF0];
	_ =	sdelay $0x2  }
0x70: {  	v5 =	vshll.u32 v6, $0x10;
	v7 =	vld [tilespmem:s28+$0x10]  }
0x71: {  	v6 =	vand.u32 $0xFFFF0000, v6;
	[tilespmem:v2+s15+$0x0] =	vst.idx.add.f32.msk $0xffff, v5  }
0x72: {  	[tilespmem:v3+s15+$0x0] =	vst.idx.add.f32.msk $0xffff, v6;
	v6 =	vand.u32 $0xFFFF, v4  }
.Ltmp7:
0x73: {  	v4 =	vshrl.u32 v4, $0x10;
	v3 =	vld [tilespmem:s26+$0x0];
	(pc) =	sbr.rel @p2 .LBB2_7-.Ltmp7, $3  }
0x74: {  	v2 =	vld [tilespmem:s28+$0x20];
	_ =	sdelay $0x1  }
0x75: {  	v8 =	vshll.u32 v7, $0x10  }
0x76: {  	v5 =	vand.u32 $0xFFFF0000, v7;
	[tilespmem:v6+s15+$0x0] =	vst.idx.add.f32.msk $0xffff, v8  }
0x77: {  	_ =	sdelay $0x3  }
0x78: {  	[tilespmem:v4+s15+$0x0] =	vst.idx.add.f32.msk $0xffff, v5;
	s26 =	sadd.s32 $0x40, s26  }
0x79: {  	v4 =	vld [tilespmem:s26+$0xFFFFFFD0]  }
0x7a: {  	v51 =	vand.u32 $0xFFFF, v3  }
0x7b: {  	v3 =	vshrl.u32 v3, $0x10  }
0x7c: {  	s28 =	sadd.s32 $0x40, s28  }
0x7d: {  	v6 =	vld [tilespmem:s28+$0xFFFFFFF0]  }
0x7e: {  	v7 =	vshll.u32 v2, $0x10;
	v8 =	vand.u32 $0xFFFF, v4  }
0x7f: {  	v2 =	vand.u32 $0xFFFF0000, v2;
	[tilespmem:v51+s15+$0x0] =	vst.idx.add.f32.msk $0xffff, v7;
	v4 =	vshrl.u32 v4, $0x10  }
0x80: {  	[tilespmem:v3+s15+$0x0] =	vst.idx.add.f32.msk $0xffff, v2  }
0x81: {  	v2 =	vld [tilespmem:s26+$0xFFFFFFE0]  }
0x82: {  	v3 =	vshll.u32 v6, $0x10;
	v5 =	vld [tilespmem:s28+$0x0]  }
0x83: {  	v6 =	vand.u32 $0xFFFF0000, v6;
	[tilespmem:v8+s15+$0x0] =	vst.idx.add.f32.msk $0xffff, v3  }
0x84: {  	[tilespmem:v4+s15+$0x0] =	vst.idx.add.f32.msk $0xffff, v6  }
0x85: {  	v3 =	vld [tilespmem:s26+$0xFFFFFFF0]  }
0x86: {  	v52 =	vand.u32 $0xFFFF, v2  }
0x87: {  	v2 =	vshrl.u32 v2, $0x10;
	_ =	sdelay $0x1  }
0x88: {  	v6 =	vld [tilespmem:s28+$0x10]  }
0x89: {  	v53 =	vshll.u32 v5, $0x10;
	v54 =	vand.u32 $0xFFFF, v3  }
0x8a: {  	v5 =	vand.u32 $0xFFFF0000, v5;
	[tilespmem:v52+s15+$0x0] =	vst.idx.add.f32.msk $0xffff, v53;
	v3 =	vshrl.u32 v3, $0x10  }
0x8b: {  	[tilespmem:v2+s15+$0x0] =	vst.idx.add.f32.msk $0xffff, v5  }
0x8c: {  	v2 =	vld [tilespmem:s26+$0x0]  }
0x8d: {  	v55 =	vshll.u32 v6, $0x10;
	v4 =	vld [tilespmem:s28+$0x20]  }
0x8e: {  	v6 =	vand.u32 $0xFFFF0000, v6;
	[tilespmem:v54+s15+$0x0] =	vst.idx.add.f32.msk $0xffff, v55  }
0x8f: {  	[tilespmem:v3+s15+$0x0] =	vst.idx.add.f32.msk $0xffff, v6  }
0x90: {  	v3 =	vld [tilespmem:s24+$0xFD0]  }
0x91: {  	v56 =	vand.u32 $0xFFFF, v2  }
0x92: {  	v2 =	vshrl.u32 v2, $0x10;
	_ =	sdelay $0x1  }
0x93: {  	v6 =	vld [tilespmem:s25+$0x8FD0]  }
0x94: {  	v57 =	vshll.u32 v4, $0x10;
	v58 =	vand.u32 $0xFFFF, v3  }
0x95: {  	v4 =	vand.u32 $0xFFFF0000, v4;
	[tilespmem:v56+s15+$0x0] =	vst.idx.add.f32.msk $0xffff, v57;
	v3 =	vshrl.u32 v3, $0x10  }
0x96: {  	[tilespmem:v2+s15+$0x0] =	vst.idx.add.f32.msk $0xffff, v4  }
0x97: {  	v2 =	vld [tilespmem:s24+$0xFE0]  }
0x98: {  	v59 =	vshll.u32 v6, $0x10;
	v5 =	vld [tilespmem:s25+$0x8FE0]  }
0x99: {  	v6 =	vand.u32 $0xFFFF0000, v6;
	[tilespmem:v58+s15+$0x0] =	vst.idx.add.f32.msk $0xffff, v59  }
0x9a: {  	[tilespmem:v3+s15+$0x0] =	vst.idx.add.f32.msk $0xffff, v6  }
0x9b: {  	v3 =	vld [tilespmem:s24+$0xFF0];
	_ =	sdelay $0x2  }
0x9c: {  	v60 =	vand.u32 $0xFFFF, v2  }
0x9d: {  	v2 =	vshrl.u32 v2, $0x10;
	v6 =	vld [tilespmem:s25+$0x8FF0]  }
0x9e: {  	v61 =	vand.u32 $0xFFFF, v3  }
0x9f: {  	p2 =	sne.s32 s22, $0x7;
	v3 =	vshrl.u32 v3, $0x10  }
.Ltmp8:
0xa0: {  	v62 =	vshll.u32 v5, $0x10;
	(pc) =	sbr.rel @p2 .LBB2_12-.Ltmp8, $4  }
0xa1: {  	v5 =	vand.u32 $0xFFFF0000, v5;
	[tilespmem:v60+s15+$0x0] =	vst.idx.add.f32.msk $0xffff, v62  }
0xa2: {  	v63 =	vshll.u32 v6, $0x10;
	[tilespmem:v2+s15+$0x0] =	vst.idx.add.f32.msk $0xffff, v5  }
0xa3: {  	v2 =	vand.u32 $0xFFFF0000, v6;
	[tilespmem:v61+s15+$0x0] =	vst.idx.add.f32.msk $0xffff, v63  }
0xa4: {  	[tilespmem:v3+s15+$0x0] =	vst.idx.add.f32.msk $0xffff, v2  }
0xa5: {  	p2 =	slt.u32 s21, $0x10  }
0xa6: {  	s22 =	simm.s32 @!p2 $0x2  }
0xa7: {  	_ =	swait.ge @!p2 [sflag:s22], $0x1000  }
0xa8: {  	[sflag:s22] =	ssyncset.done @!p2 $0x0  }
0xa9: {  	[sflag:s22] =	ssyncadd.s32 @!p2 $0xFFFFF000;
	s22 =	simm.s32 $0x0  }
0xaa: {  	v2 =	vld [tilespmem:s22+$0x19000]  }
0xab: {  	v3 =	vld [tilespmem:s22+$0x11000]  }
0xac: {  	v4 =	vld [tilespmem:s22+$0xF000]  }
0xad: {  	v5 =	vld [tilespmem:s22+$0xE000]  }
0xae: {  	v6 =	vld [tilespmem:s22+$0x10000]  }
0xaf: {  	v7 =	vld [tilespmem:s22+$0x15000]  }
0xb0: {  	v8 =	vld [tilespmem:s22+$0xD000]  }
0xb1: {  	v9 =	vld [tilespmem:s22+$0xC000]  }
0xb2: {  	v10 =	vld [tilespmem:s22+$0xA000]  }
0xb3: {  	v11 =	vld [tilespmem:s22+$0x17000]  }
0xb4: {  	v12 =	vld [tilespmem:s22+$0x13000]  }
0xb5: {  	v13 =	vld [tilespmem:s22+$0x14000]  }
0xb6: {  	v14 =	vld [tilespmem:s22+$0x18000]  }
0xb7: {  	v15 =	vld [tilespmem:s22+$0x16000]  }
0xb8: {  	v16 =	vld [tilespmem:s22+$0x12000]  }
0xb9: {  	v17 =	vld [tilespmem:s22+$0xB000];
	_ =	sdelay $0x1  }
0xba: {  	v4 =	vadd.f32 v4, v5;
	v5 =	vadd.f32 v8, v9  }
0xbb: {  	v3 =	vadd.f32 v3, v6;
	v59 =	vadd.f32 v7, v13  }
0xbc: {  	v2 =	vadd.f32 v2, v14;
	v60 =	vadd.f32 v12, v16  }
0xbd: {  	v61 =	vadd.f32 v11, v15;
	v62 =	vadd.f32 v17, v10  }
0xbe: {  	v3 =	vadd.f32 v3, v4;
	v4 =	vadd.f32 v59, v60  }
0xbf: {  	v2 =	vadd.f32 v2, v61;
	v5 =	vadd.f32 v5, v62  }
0xc0: {  	v63 =	vld [tilespmem:s22+$0x1A000]  }
0xc1: {  	v4 =	vadd.f32 v2, v4;
	v3 =	vadd.f32 v3, v5  }
0xc2: {  	v2 =	vmov s23  }
0xc3: {  	v3 =	vadd.f32 v4, v3;
	_ =	sdelay $0x1  }
0xc4: {  	s30 =	sshrl.u32 s21, $0x3;
	v4 =	vsub.f32 v3, v63  }
0xc5: {  	s21 =	sshll.u32 s30, $0xC  }
0xc6: {  	s24 =	simm.s32 $0x0;
	s31 =	sor.u32 s30, s5;
	s21 =	sand.u32 $0x1000, s21;
	[tilespmem:v2+s22+$0x0 ss:$0x1] =	vst.idx.msk $0xffff, v4  }
0xc7: {  	s25 =	simm.s32 $0x0;
	s21 =	sadd.s32 $0x1B000, s21;
	s23 =	sadd.s32 s6, s31;
	[tilespmem:s22+$0x1A000] =	vst v3;
	v3 =	vld [tilespmem:s22+$0x19010]  }
.LBB2_10:
0xc8: {  	s25 =	sadd.s32 $0x2, s25;
	v4 =	vld [tilespmem:s22+$0xF010];
	s24 =	sadd.s32 $0x80, s24  }
0xc9: {  	p2 =	slt.u32 s25, $0xFE;
	v5 =	vld [tilespmem:s22+$0x17010]  }
0xca: {  	v6 =	vld [tilespmem:s22+$0xD010]  }
0xcb: {  	v7 =	vld [tilespmem:s22+$0x11010]  }
0xcc: {  	v8 =	vld [tilespmem:s22+$0xA010]  }
0xcd: {  	v9 =	vld [tilespmem:s22+$0x15010]  }
0xce: {  	v10 =	vld [tilespmem:s22+$0x16010]  }
0xcf: {  	v11 =	vld [tilespmem:s22+$0x18010]  }
0xd0: {  	v12 =	vld [tilespmem:s22+$0x13010]  }
0xd1: {  	v13 =	vld [tilespmem:s22+$0x14010]  }
0xd2: {  	v14 =	vld [tilespmem:s22+$0x12010]  }
0xd3: {  	v15 =	vld [tilespmem:s22+$0xC010]  }
0xd4: {  	v16 =	vld [tilespmem:s22+$0xB010]  }
0xd5: {  	v5 =	vadd.f32 v5, v10;
	v3 =	vadd.f32 v3, v11;
	v17 =	vld [tilespmem:s22+$0x10010]  }
0xd6: {  	v10 =	vld [tilespmem:s22+$0xE010];
	v9 =	vadd.f32 v9, v13  }
0xd7: {  	v3 =	vadd.f32 v3, v5  }
0xd8: {  	v5 =	vadd.f32 v12, v14  }
0xd9: {  	v6 =	vadd.f32 v6, v15  }
0xda: {  	v8 =	vadd.f32 v16, v8;
	v5 =	vadd.f32 v9, v5  }
0xdb: {  	v7 =	vadd.f32 v7, v17;
	v4 =	vadd.f32 v4, v10  }
0xdc: {  	v6 =	vadd.f32 v6, v8;
	v3 =	vadd.f32 v3, v5  }
0xdd: {  	v4 =	vadd.f32 v7, v4  }
0xde: {  	v5 =	vld [tilespmem:s22+$0x1A010]  }
0xdf: {  	v4 =	vadd.f32 v4, v6;
	_ =	sdelay $0x1  }
0xe0: {  	v3 =	vadd.f32 v3, v4;
	_ =	sdelay $0x1  }
0xe1: {  	v4 =	vsub.f32 v3, v5;
	_ =	sdelay $0x1  }
0xe2: {  	s26 =	sshra.s32 s24, $0x2;
	[tilespmem:v2+s22+$0x10 ss:$0x1] =	vst.idx.msk $0xffff, v4  }
0xe3: {  	v4 =	vld [tilespmem:s26+$0x19000];
	[tilespmem:s22+$0x1A010] =	vst v3;
	s22 =	smov.u32 s26  }
0xe4: {  	v3 =	vld [tilespmem:s22+$0x11000]  }
0xe5: {  	v5 =	vld [tilespmem:s22+$0xF000]  }
0xe6: {  	v6 =	vld [tilespmem:s22+$0xE000]  }
0xe7: {  	v7 =	vld [tilespmem:s22+$0x10000]  }
0xe8: {  	v8 =	vld [tilespmem:s22+$0x15000]  }
0xe9: {  	v9 =	vld [tilespmem:s22+$0xD000]  }
0xea: {  	v10 =	vld [tilespmem:s22+$0xC000]  }
0xeb: {  	v11 =	vld [tilespmem:s22+$0xA000];
	v5 =	vadd.f32 v5, v6  }
0xec: {  	v6 =	vld [tilespmem:s22+$0x17000]  }
0xed: {  	v12 =	vld [tilespmem:s22+$0x13000]  }
0xee: {  	v13 =	vld [tilespmem:s22+$0x14000]  }
0xef: {  	v14 =	vld [tilespmem:s22+$0x18000]  }
0xf0: {  	v15 =	vld [tilespmem:s22+$0x16000]  }
0xf1: {  	v9 =	vadd.f32 v9, v10;
	v16 =	vld [tilespmem:s22+$0x12000]  }
0xf2: {  	v10 =	vld [tilespmem:s22+$0xB000]  }
0xf3: {  	v3 =	vadd.f32 v3, v7  }
0xf4: {  	v7 =	vadd.f32 v8, v13;
	v4 =	vadd.f32 v4, v14  }
0xf5: {  	v6 =	vadd.f32 v6, v15  }
0xf6: {  	v8 =	vadd.f32 v12, v16  }
0xf7: {  	v3 =	vadd.f32 v3, v5;
	v10 =	vadd.f32 v10, v11  }
0xf8: {  	v4 =	vadd.f32 v4, v6;
	v5 =	vadd.f32 v7, v8  }
0xf9: {  	v6 =	vadd.f32 v9, v10  }
0xfa: {  	v4 =	vadd.f32 v4, v5;
	v5 =	vld [tilespmem:s22+$0x1A000]  }
0xfb: {  	v3 =	vadd.f32 v3, v6;
	_ =	sdelay $0x1  }
0xfc: {  	v3 =	vadd.f32 v4, v3  }
.Ltmp9:
0xfd: {  	(pc) =	sbr.rel @p2 .LBB2_10-.Ltmp9, $3  }
0xfe: {  	v4 =	vsub.f32 v3, v5;
	_ =	sdelay $0x1  }
0xff: {  	[tilespmem:v2+s22+$0x0 ss:$0x1] =	vst.idx.msk $0xffff, v4  }
0x100: {  	[tilespmem:s22+$0x1A000] =	vst v3;
	v3 =	vld [tilespmem:s22+$0x19010]  }
0x101: {  	v4 =	vld [tilespmem:s22+$0xF010]  }
0x102: {  	v5 =	vld [tilespmem:s22+$0x17010]  }
0x103: {  	v6 =	vld [tilespmem:s22+$0xD010]  }
0x104: {  	v7 =	vld [tilespmem:s22+$0x11010]  }
0x105: {  	v8 =	vld [tilespmem:s22+$0xA010]  }
0x106: {  	v9 =	vld [tilespmem:s22+$0x15010]  }
0x107: {  	v10 =	vld [tilespmem:s22+$0x16010]  }
0x108: {  	v11 =	vld [tilespmem:s22+$0x18010]  }
0x109: {  	v12 =	vld [tilespmem:s22+$0x13010]  }
0x10a: {  	v13 =	vld [tilespmem:s22+$0x14010]  }
0x10b: {  	v14 =	vld [tilespmem:s22+$0x12010]  }
0x10c: {  	v15 =	vld [tilespmem:s22+$0xC010]  }
0x10d: {  	v16 =	vld [tilespmem:s22+$0xB010]  }
0x10e: {  	v17 =	vld [tilespmem:s22+$0x10010]  }
0x10f: {  	v18 =	vld [tilespmem:s22+$0xE010];
	_ =	sdelay $0x1  }
0x110: {  	v5 =	vadd.f32 v5, v10;
	v3 =	vadd.f32 v3, v11  }
0x111: {  	v9 =	vadd.f32 v9, v13;
	v61 =	vadd.f32 v12, v14  }
0x112: {  	v6 =	vadd.f32 v6, v15;
	v8 =	vadd.f32 v16, v8  }
0x113: {  	v4 =	vadd.f32 v4, v18;
	v7 =	vadd.f32 v7, v17  }
0x114: {  	v3 =	vadd.f32 v3, v5;
	v62 =	vadd.f32 v9, v61  }
0x115: {  	v6 =	vadd.f32 v6, v8;
	v4 =	vadd.f32 v7, v4  }
0x116: {  	v63 =	vld [tilespmem:s22+$0x1A010]  }
0x117: {  	v3 =	vadd.f32 v3, v62;
	v4 =	vadd.f32 v4, v6;
	_ =	sdelay $0x1  }
0x118: {  	v3 =	vadd.f32 v3, v4;
	_ =	sdelay $0x1  }
.Ltmp10:
0x119: {  	v4 =	vsub.f32 v3, v63;
	(pc) =	sbr.rel .LBB2_12-.Ltmp10, $4  }
0x11a: {  	s23 =	sshll.u32 s23, $0x9  }
0x11b: {  	s23 =	sand.u32 $0x1FFFFE00, s23;
	[tilespmem:v2+s22+$0x10 ss:$0x1] =	vst.idx.msk $0xffff, v4  }
0x11c: {  	s31 =	sadd.s32 s1, s23;
	[tilespmem:s22+$0x1A010] =	vst v3  }
0x11d: {  	[hbm4b:s31+s3] =	stream.linear.scatter [tilespmem:s21], [sflag:$0x2], $0x1000, $0x38;
	[tilespmem:$0x1D000] =	vst v63  }
.LBB2_14:
0x11e: {  	v2 =	vld [tilespmem:$0x0];
	_ =	sdelay $0x1  }
0x11f: {  	s19 =	simm.s32 $0xFFFFFFFC;
	s20 =	simm.s32 $0x40  }
.LBB2_15:
0x120: {  	v3 =	vld [tilespmem:s20+$0xFFFFFFD0];
	_ =	sdelay $0x1  }
0x121: {  	v4 =	vand.u32 $0xFFFF, v2  }
0x122: {  	v2 =	vshrl.u32 v2, $0x10;
	_ =	sdelay $0x1  }
0x123: {  	v5 =	vand.u32 $0xFFFF, v3  }
0x124: {  	v3 =	vshrl.u32 v3, $0x10  }
0x125: {  	[tilespmem:v4+s15+$0x0] =	vst.idx.add.f32.msk $0xffff, v1  }
0x126: {  	[tilespmem:v2+s15+$0x0] =	vst.idx.add.f32.msk $0xffff, v1  }
0x127: {  	v2 =	vld [tilespmem:s20+$0xFFFFFFE0]  }
0x128: {  	[tilespmem:v5+s15+$0x0] =	vst.idx.add.f32.msk $0xffff, v1  }
0x129: {  	[tilespmem:v3+s15+$0x0] =	vst.idx.add.f32.msk $0xffff, v1  }
0x12a: {  	v3 =	vld [tilespmem:s20+$0xFFFFFFF0];
	_ =	sdelay $0x1  }
0x12b: {  	v62 =	vand.u32 $0xFFFF, v2  }
0x12c: {  	v2 =	vshrl.u32 v2, $0x10;
	_ =	sdelay $0x1  }
0x12d: {  	s19 =	sadd.s32 $0x4, s19;
	v63 =	vand.u32 $0xFFFF, v3  }
0x12e: {  	p1 =	slt.u32 s19, $0x7F8;
	v3 =	vshrl.u32 v3, $0x10  }
.Ltmp11:
0x12f: {  	[tilespmem:v62+s15+$0x0] =	vst.idx.add.f32.msk $0xffff, v1;
	(pc) =	sbr.rel @p1 .LBB2_15-.Ltmp11, $4  }
0x130: {  	[tilespmem:v2+s15+$0x0] =	vst.idx.add.f32.msk $0xffff, v1  }
0x131: {  	v2 =	vld [tilespmem:s20+$0x0]  }
0x132: {  	[tilespmem:v63+s15+$0x0] =	vst.idx.add.f32.msk $0xffff, v1  }
0x133: {  	s20 =	sadd.s32 $0x40, s20;
	[tilespmem:v3+s15+$0x0] =	vst.idx.add.f32.msk $0xffff, v1  }
0x134: {  	v3 =	vld [tilespmem:$0x7FD0];
	_ =	sdelay $0x1  }
0x135: {  	v4 =	vand.u32 $0xFFFF, v2  }
0x136: {  	v2 =	vshrl.u32 v2, $0x10;
	_ =	sdelay $0x1  }
0x137: {  	v5 =	vand.u32 $0xFFFF, v3  }
0x138: {  	v3 =	vshrl.u32 v3, $0x10  }
0x139: {  	[tilespmem:v4+s15+$0x0] =	vst.idx.add.f32.msk $0xffff, v1  }
0x13a: {  	[tilespmem:v2+s15+$0x0] =	vst.idx.add.f32.msk $0xffff, v1  }
0x13b: {  	v2 =	vld [tilespmem:$0x7FE0]  }
0x13c: {  	[tilespmem:v5+s15+$0x0] =	vst.idx.add.f32.msk $0xffff, v1  }
0x13d: {  	[tilespmem:v3+s15+$0x0] =	vst.idx.add.f32.msk $0xffff, v1  }
0x13e: {  	v3 =	vld [tilespmem:$0x7FF0];
	_ =	sdelay $0x2  }
0x13f: {  	v4 =	vand.u32 $0xFFFF, v2  }
0x140: {  	v2 =	vshrl.u32 v2, $0x10  }
0x141: {  	v5 =	vand.u32 $0xFFFF, v3  }
0x142: {  	v3 =	vshrl.u32 v3, $0x10;
	_ =	sdelay $0x1  }
0x143: {  	[tilespmem:v4+s15+$0x0] =	vst.idx.add.f32.msk $0xffff, v1  }
0x144: {  	[tilespmem:v2+s15+$0x0] =	vst.idx.add.f32.msk $0xffff, v1  }
0x145: {  	[tilespmem:v5+s15+$0x0] =	vst.idx.add.f32.msk $0xffff, v1  }
0x146: {  	s19 =	simm.s32 $0x0;
	[tilespmem:v3+s15+$0x0] =	vst.idx.add.f32.msk $0xffff, v1  }
0x147: {  	v2 =	vld [tilespmem:s19+$0xA010]  }
0x148: {  	v3 =	vld [tilespmem:s19+$0xB010]  }
0x149: {  	v4 =	vld [tilespmem:s19+$0xC010]  }
0x14a: {  	v5 =	vld [tilespmem:s19+$0xD010]  }
0x14b: {  	v6 =	vld [tilespmem:s19+$0xE010]  }
0x14c: {  	v7 =	vld [tilespmem:s19+$0xF010]  }
0x14d: {  	v8 =	vld [tilespmem:s19+$0x10010]  }
0x14e: {  	v9 =	vld [tilespmem:s19+$0x11010]  }
0x14f: {  	v10 =	vld [tilespmem:s19+$0x12010]  }
0x150: {  	v11 =	vld [tilespmem:s19+$0x13010]  }
0x151: {  	v12 =	vld [tilespmem:s19+$0x14010]  }
0x152: {  	v13 =	vld [tilespmem:s19+$0x15010]  }
0x153: {  	v14 =	vld [tilespmem:s19+$0x16010]  }
0x154: {  	v15 =	vld [tilespmem:s19+$0x17010]  }
0x155: {  	v16 =	vld [tilespmem:s19+$0x18010]  }
0x156: {  	v17 =	vld [tilespmem:s19+$0x19010]  }
0x157: {  	v18 =	vld [tilespmem:s19+$0xA000]  }
0x158: {  	v19 =	vld [tilespmem:s19+$0xB000]  }
0x159: {  	v60 =	vld [tilespmem:s19+$0xF000]  }
0x15a: {  	v61 =	vld [tilespmem:s19+$0x10000];
	v2 =	vadd.f32 v3, v2;
	v3 =	vadd.f32 v5, v4  }
0x15b: {  	v62 =	vld [tilespmem:s19+$0x13000];
	v4 =	vadd.f32 v7, v6;
	v6 =	vadd.f32 v9, v8  }
0x15c: {  	v5 =	vld [tilespmem:s19+$0xC000];
	v8 =	vadd.f32 v11, v10;
	v9 =	vadd.f32 v13, v12  }
0x15d: {  	v7 =	vld [tilespmem:s19+$0xD000];
	v11 =	vadd.f32 v15, v14;
	v59 =	vadd.f32 v17, v16  }
0x15e: {  	v10 =	vld [tilespmem:s19+$0xE000];
	v2 =	vadd.f32 v3, v2;
	v3 =	vadd.f32 v6, v4  }
0x15f: {  	v4 =	vadd.f32 v9, v8;
	v6 =	vadd.f32 v59, v11;
	v9 =	vld [tilespmem:s19+$0x11000]  }
0x160: {  	v8 =	vld [tilespmem:s19+$0x1A010]  }
0x161: {  	v11 =	vld [tilespmem:s19+$0x12000];
	v2 =	vadd.f32 v3, v2;
	v3 =	vadd.f32 v6, v4  }
0x162: {  	v63 =	vadd.f32 v19, v18;
	v4 =	vld [tilespmem:s19+$0x15000]  }
0x163: {  	v5 =	vadd.f32 v7, v5;
	v3 =	vadd.f32 v3, v2;
	v2 =	vld [tilespmem:s19+$0x14000]  }
0x164: {  	v6 =	vld [tilespmem:s19+$0x17000];
	v10 =	vadd.f32 v60, v10;
	v9 =	vadd.f32 v9, v61  }
0x165: {  	v8 =	vsub.f32 v3, v8;
	v3 =	vld [tilespmem:s19+$0x16000]  }
0x166: {  	v7 =	vld [tilespmem:s19+$0x18000];
	v5 =	vadd.f32 v5, v63;
	v10 =	vadd.f32 v9, v10  }
0x167: {  	s20 =	simm.s32 $0x0;
	s21 =	simm.s32 $0x80;
	v9 =	vld [tilespmem:s19+$0x19000];
	[tilespmem:s19+$0x1B010] =	vst v8;
	v8 =	vadd.f32 v62, v11  }
.LBB2_17:
0x168: {  	s22 =	sshra.s32 s21, $0x2;
	v2 =	vadd.f32 v4, v2;
	v4 =	vadd.f32 v10, v5;
	v5 =	vld [tilespmem:s19+$0x1A000]  }
0x169: {  	v10 =	vld [tilespmem:s22+$0xA010]  }
0x16a: {  	v11 =	vld [tilespmem:s22+$0xB010];
	v3 =	vadd.f32 v6, v3;
	v2 =	vadd.f32 v2, v8  }
0x16b: {  	v6 =	vld [tilespmem:s22+$0xC010]  }
0x16c: {  	v8 =	vld [tilespmem:s22+$0xD010];
	v7 =	vadd.f32 v9, v7  }
0x16d: {  	v9 =	vld [tilespmem:s22+$0xE010]  }
0x16e: {  	v12 =	vld [tilespmem:s22+$0xF010];
	v3 =	vadd.f32 v7, v3  }
0x16f: {  	v7 =	vld [tilespmem:s22+$0x10010]  }
0x170: {  	v13 =	vld [tilespmem:s22+$0x11010];
	v2 =	vadd.f32 v3, v2  }
0x171: {  	v3 =	vld [tilespmem:s22+$0x12010]  }
0x172: {  	v14 =	vld [tilespmem:s22+$0x13010];
	v2 =	vadd.f32 v2, v4  }
0x173: {  	v4 =	vld [tilespmem:s22+$0x14010]  }
0x174: {  	v15 =	vld [tilespmem:s22+$0x15010];
	v2 =	vsub.f32 v2, v5  }
0x175: {  	v5 =	vld [tilespmem:s22+$0x16010]  }
0x176: {  	v16 =	vld [tilespmem:s22+$0x17010];
	[tilespmem:s19+$0x1B000] =	vst v2;
	s19 =	smov.u32 s22  }
0x177: {  	s20 =	sadd.s32 $0x2, s20;
	v2 =	vld [tilespmem:s19+$0x18010]  }
0x178: {  	p1 =	slt.u32 s20, $0xFE;
	v17 =	vld [tilespmem:s19+$0x19010]  }
0x179: {  	v18 =	vld [tilespmem:s19+$0xA000]  }
0x17a: {  	v10 =	vadd.f32 v11, v10;
	v6 =	vadd.f32 v8, v6;
	v19 =	vld [tilespmem:s19+$0xB000]  }
0x17b: {  	v9 =	vadd.f32 v12, v9;
	v7 =	vadd.f32 v13, v7;
	v8 =	vld [tilespmem:s19+$0xC000]  }
0x17c: {  	v3 =	vadd.f32 v14, v3;
	v4 =	vadd.f32 v15, v4;
	v11 =	vld [tilespmem:s19+$0xD000]  }
0x17d: {  	v5 =	vadd.f32 v16, v5;
	v12 =	vld [tilespmem:s19+$0xE000];
	v2 =	vadd.f32 v17, v2  }
0x17e: {  	v6 =	vadd.f32 v6, v10;
	v7 =	vadd.f32 v7, v9;
	v13 =	vld [tilespmem:s19+$0xF000]  }
0x17f: {  	v3 =	vadd.f32 v4, v3;
	v9 =	vld [tilespmem:s19+$0x10000];
	v2 =	vadd.f32 v2, v5  }
0x180: {  	v4 =	vadd.f32 v19, v18;
	v10 =	vld [tilespmem:s19+$0x1A010]  }
0x181: {  	v5 =	vadd.f32 v7, v6;
	v14 =	vld [tilespmem:s19+$0x11000];
	v2 =	vadd.f32 v2, v3  }
0x182: {  	v3 =	vadd.f32 v11, v8;
	v15 =	vld [tilespmem:s19+$0x12000]  }
0x183: {  	v8 =	vld [tilespmem:s19+$0x13000];
	v11 =	vadd.f32 v13, v12;
	v6 =	vadd.f32 v2, v5  }
0x184: {  	v5 =	vadd.f32 v3, v4;
	v2 =	vld [tilespmem:s19+$0x14000]  }
.Ltmp12:
0x185: {  	v4 =	vld [tilespmem:s19+$0x15000];
	v7 =	vsub.f32 v6, v10;
	(pc) =	sbr.rel @p1 .LBB2_17-.Ltmp12, $4  }
0x186: {  	v3 =	vld [tilespmem:s19+$0x16000];
	v9 =	vadd.f32 v14, v9  }
0x187: {  	v6 =	vld [tilespmem:s19+$0x17000];
	[tilespmem:s19+$0x1B010] =	vst v7  }
0x188: {  	v7 =	vld [tilespmem:s19+$0x18000];
	v8 =	vadd.f32 v8, v15;
	v10 =	vadd.f32 v9, v11  }
0x189: {  	s21 =	sadd.s32 $0x80, s21;
	v9 =	vld [tilespmem:s19+$0x19000]  }
0x18a: {  	_ =	sdelay $0x2  }
0x18b: {  	v2 =	vadd.f32 v4, v2  }
0x18c: {  	v3 =	vadd.f32 v6, v3;
	v62 =	vadd.f32 v9, v7;
	_ =	sdelay $0x1  }
0x18d: {  	v2 =	vadd.f32 v2, v8;
	v3 =	vadd.f32 v62, v3  }
0x18e: {  	v63 =	vld [tilespmem:s19+$0x1A000]  }
0x18f: {  	v5 =	vadd.f32 v10, v5;
	v2 =	vadd.f32 v3, v2;
	_ =	sdelay $0x1  }
0x190: {  	v2 =	vadd.f32 v2, v5;
	_ =	sdelay $0x1  }
0x191: {  	v2 =	vsub.f32 v2, v63;
	_ =	sdelay $0x1  }
.Ltmp13:
0x192: {  	[tilespmem:s19+$0x1B000] =	vst v2;
	(pc) =	sbr.rel .LBB2_19-.Ltmp13, $4  }
0x193: {  	[hbm4b:s10+s3] =	stream.linear.scatter [tilespmem:s17], [sflag:$0x3], $0x1000, $0x38;
	[tilespmem:$0x1D000] =	vst v63  }
0x194: {  	_ =	swait.ge [sflag:s12], $0x1000  }
0x195: {  	[sflag:s12] =	ssyncset.done $0x0  }
0x196: {  	[sflag:s12] =	ssyncadd.s32 $0xFFFFF000  }
.LBB2_20:
0x197: {  	_ =	sfence.sel $0x180000  }
0x198: {  	[bflag:$0x0] =	sbarrier.arrive $0xFFFF  }
0x199: {  	p0 =	sne.s32 s2, $0x0;
	_ =	strace $0x90000047  }
0x19a: {  	s0 =	sadd.s32 @!p0 $0x100000, s0;
	[bflag:$0x2] =	sbarrier.arrive $0xFFFF  }
0x19b: {  	[sflag:s0] =	ssyncadd.tile.s32 @!p0 $0x1;
	_ =	shalt  }
.Lfunc_end2:
_tile_overlayer_lowered:
.L_overlay_start_2:
0x19c: {  	(tag) =	ssettag $0x2  }
0x19d: {  	s0 =	rddreg [dreg:$0x0];
	s2 =	stileid.u32  }
0x19e: {  	s1 =	rddreg [dreg:$0x1];
	p0 =	sne.s32 s2, $0x0  }
0x19f: {  	s3 =	rddreg [dreg:$0x2];
	[bflag:$0x3] =	sbarrier.arrive $0xFFFF;
	s2 =	simm.s32 @!p0 $0x1C03  }
0x1a0: {  	[timem:s3], [sflag:s2] =	dma.local @!p0 [hbm:s0], s1  }
0x1a1: {  	s0 =	simm.s32 @!p0 $0x3  }
0x1a2: {  	_ =	swait.ge @!p0 [sflag:s0], s1  }
0x1a3: {  	s1 =	ssub.s32 @!p0 $0x0, s1;
	[sflag:s0] =	ssyncset.done @!p0 $0x0  }
0x1a4: {  	[sflag:s0] =	ssyncadd.s32 @!p0 s1  }
0x1a5: {  	[bflag:$0x3] =	sbarrier.arrive $0xFFFF  }
0x1a6: {  	_ =	shalt  }

</sc_bundles>
